<compile_context>
chip_gen: v7x
topology: tpu7x:2x2x1
jax: 0.10.2.dev20260603
libtpu: 0.0.44.dev20260713+nightly
codegen_flags: <defaults>
</compile_context>

<pallas_src>
import jax
import jax.numpy as jnp
from jax import lax
from jax.experimental import pallas as pl
from jax.experimental.pallas import tpu as pltpu
from jax.experimental.pallas import tpu_sc as plsc

BATCH = 16384
HIST = 50
HP = 56
EMBED_DIM = 32
REC = 128
VOCAB = 1000000
NC, NS = 2, 16
NW = NC * NS
B_PER_W = BATCH // NW
GB = 4
N_GROUPS = B_PER_W // GB
PAIRS = N_GROUPS // 2


def _gather_body(
    xp_hbm, tblp_hbm, out_hbm, idx_v, rows_a, rows_b, sem_a, sem_b, ss_a, ss_b
):
    wid = lax.axis_index("s") * NC + lax.axis_index("c")
    b0 = wid * B_PER_W
    pltpu.sync_copy(xp_hbm.at[pl.ds(b0, B_PER_W), :], idx_v)

    def fire(g, rows, sem):
        for i in range(GB):
            b = g * GB + i
            pltpu.async_copy(
                tblp_hbm.at[idx_v.at[b, pl.ds(0, HP)]],
                rows.at[i],
                sem,
            )

    def wait_gathers(rows, sem):
        for i in range(GB):
            pltpu.make_async_copy(
                tblp_hbm.at[pl.ds(0, HP)],
                rows.at[i],
                sem,
            ).wait()

    def store(g, rows, ssem):
        pltpu.async_copy(
            rows.at[:, pl.ds(0, HIST), pl.ds(0, EMBED_DIM)],
            out_hbm.at[pl.ds(b0 + g * GB, GB), :, :],
            ssem,
        )

    def wait_store(rows, ssem):
        pltpu.make_async_copy(
            rows.at[:, pl.ds(0, HIST), pl.ds(0, EMBED_DIM)],
            out_hbm.at[pl.ds(b0, GB), :, :],
            ssem,
        ).wait()

    fire(0, rows_a, sem_a)

    def pair(p, carry):
        g0 = p * 2

        @pl.when(p >= 1)
        def _():
            wait_store(rows_b, ss_b)

        fire(g0 + 1, rows_b, sem_b)
        wait_gathers(rows_a, sem_a)
        store(g0, rows_a, ss_a)

        @pl.when(g0 + 2 < N_GROUPS)
        def _():
            wait_store(rows_a, ss_a)
            fire(g0 + 2, rows_a, sem_a)

        wait_gathers(rows_b, sem_b)
        store(g0 + 1, rows_b, ss_b)
        return carry

    lax.fori_loop(0, PAIRS, pair, None)
    wait_store(rows_b, ss_b)

    @pl.when(N_GROUPS >= 2)
    def _():
        wait_store(rows_a, ss_a)


@jax.jit
def _run(x, table):
    fill = (
        jnp.arange(BATCH, dtype=jnp.int32)[:, None] * 53
        + jnp.arange(6, dtype=jnp.int32)[None, :] * 131
    ) % VOCAB
    xp = jnp.concatenate([x, fill, jnp.zeros((BATCH, 72), jnp.int32)], axis=1)
    tblp = jnp.concatenate(
        [table, jnp.zeros((VOCAB, REC - EMBED_DIM), jnp.float32)], axis=1
    )

    mesh = plsc.VectorSubcoreMesh(core_axis_name="c", subcore_axis_name="s")
    out = pl.kernel(
        _gather_body,
        out_type=jax.ShapeDtypeStruct((BATCH, HIST, EMBED_DIM), jnp.float32),
        mesh=mesh,
        scratch_types=[
            pltpu.VMEM((B_PER_W, 128), jnp.int32),
            pltpu.VMEM((GB, HP, REC), jnp.float32),
            pltpu.VMEM((GB, HP, REC), jnp.float32),
            pltpu.SemaphoreType.DMA,
            pltpu.SemaphoreType.DMA,
            pltpu.SemaphoreType.DMA,
            pltpu.SemaphoreType.DMA,
        ],
        compiler_params=pltpu.CompilerParams(use_tc_tiling_on_sc=False),
    )(xp, tblp)
    return out


def kernel(x, table):
    return _run(x.astype(jnp.int32), table)

# --- scband reference (transcript-rebuilt; emitter-appended) ---
"""Pipeline reference for scband-embedding-21165598835019 (READ-ONLY COPY).

The authoritative reference and input builder live on the scoring server;
editing this copy changes nothing except your own understanding.
"""

import jax, jax.numpy as jnp
import numpy as np

VOCAB = 1000000
EMBED_DIM = 32
BATCH = 16384
HIST = 50

def setup_inputs(seed: int = 0) -> dict:
    key = jax.random.key(seed)
    k_idx, k_tab = jax.random.split(key)
    x = jax.random.randint(k_idx, (BATCH, HIST), 0, VOCAB, dtype=jnp.int64)
    table = jax.random.normal(k_tab, (VOCAB, EMBED_DIM), dtype=jnp.float32) * 0.02
    return {"x": x, "table": table}

def reference(x, table):
    # nn.Embedding forward: simple row gather from the embedding table
    return jnp.take(table, x, axis=0)

if __name__ == "__main__":
    import jax
    _d = setup_inputs()
    print(jax.jit(kernel)(*tuple(_d.values())))

</pallas_src>

<mosaic_0001>
#map = affine_map<(d0, d1) -> (0, 0)>
#map1 = affine_map<(d0, d1) -> (0, 0, 0)>
module attributes {stable_mosaic.version = 14 : i64} {
  func.func @_gather_body(%arg0: i32, %arg1: i32, %arg2: memref<16384x128xi32, #tpu.memory_space<hbm>>, %arg3: memref<1000000x128xf32, #tpu.memory_space<hbm>>, %arg4: memref<16384x50x32xf32, #tpu.memory_space<hbm>>, %arg5: memref<512x128xi32, #tpu.memory_space<vmem>>, %arg6: memref<4x56x128xf32, #tpu.memory_space<vmem>>, %arg7: memref<4x56x128xf32, #tpu.memory_space<vmem>>, %arg8: memref<!tpu.dma_semaphore, #tpu.memory_space<semaphore_mem>>, %arg9: memref<!tpu.dma_semaphore, #tpu.memory_space<semaphore_mem>>, %arg10: memref<!tpu.dma_semaphore, #tpu.memory_space<semaphore_mem>>, %arg11: memref<!tpu.dma_semaphore, #tpu.memory_space<semaphore_mem>>) attributes {dimension_semantics = [#tpu.dimension_semantics<core_parallel>, #tpu.dimension_semantics<subcore_parallel>], iteration_bounds = array<i64: 2, 16>, scalar_prefetch = 0 : i64, scratch_operands = 7 : i64, tpu.core_type = #tpu.core_type<sc_vector_subcore>, window_params = [{transform_indices = #map}, {transform_indices = #map}, {transform_indices = #map1}]} {
    %mul3A = arith.constant 2 : i32
    %mul3A_0 = arith.muli %arg1, %mul3A : i32
    %add3A = arith.addi %mul3A_0, %arg0 : i32
    %mul3A_1 = arith.constant 512 : i32
    %mul3A_2 = arith.muli %add3A, %mul3A_1 : i32
    "tpu.region"() ({
      %run_scoped3A = tpu.sem_alloc : memref<!tpu.dma_semaphore, #tpu.memory_space<semaphore_mem>>
      %dma_start3A_81 = arith.constant 0 : i32
      %dma_start3A_82 = tpu.memref_slice %arg2[%mul3A_2, %dma_start3A_81] : memref<16384x128xi32, #tpu.memory_space<hbm>> -> memref<512x128xi32, #tpu.memory_space<hbm>>
      %dma_start3A_83 = arith.constant 0 : i32
      %dma_start3A_84 = tpu.memref_slice %arg2[%mul3A_2, %dma_start3A_83] : memref<16384x128xi32, #tpu.memory_space<hbm>> -> memref<512x128xi32, #tpu.memory_space<hbm>>
      tpu.enqueue_dma source(%dma_start3A_84 : memref<512x128xi32, #tpu.memory_space<hbm>>) target(%arg5 : memref<512x128xi32, #tpu.memory_space<vmem>>) target_semaphore(%run_scoped3A : memref<!tpu.dma_semaphore, #tpu.memory_space<semaphore_mem>>)
      %dma_wait3A_85 = arith.constant 0 : i32
      %dma_wait3A_86 = tpu.memref_slice %arg2[%mul3A_2, %dma_wait3A_85] : memref<16384x128xi32, #tpu.memory_space<hbm>> -> memref<512x128xi32, #tpu.memory_space<hbm>>
      %dma_wait3A_87 = arith.constant 0 : i32
      %dma_wait3A_88 = tpu.memref_slice %arg2[%mul3A_2, %dma_wait3A_87] : memref<16384x128xi32, #tpu.memory_space<hbm>> -> memref<512x128xi32, #tpu.memory_space<hbm>>
      tpu.wait_dma2 semaphore(%run_scoped3A : memref<!tpu.dma_semaphore, #tpu.memory_space<semaphore_mem>>) src(%dma_wait3A_88 : memref<512x128xi32, #tpu.memory_space<hbm>>) dst(%arg5 : memref<512x128xi32, #tpu.memory_space<vmem>>)
      tpu.yield
    }) : () -> ()
    %dma_start3A = arith.constant 0 : i32
    %dma_start3A_3 = arith.constant 0 : i32
    %dma_start3A_4 = arith.constant 0 : i32
    %dma_start3A_5 = arith.constant 0 : i32
    %dma_start3A_6 = tpu.memref_slice %arg6[%dma_start3A_3, %dma_start3A_4, %dma_start3A_5] : memref<4x56x128xf32, #tpu.memory_space<vmem>> -> memref<1x56x128xf32, #tpu.memory_space<vmem>>
    %dma_start3A_7 = tpu.memref_squeeze %dma_start3A_6 : memref<1x56x128xf32, #tpu.memory_space<vmem>> -> memref<56x128xf32, #tpu.memory_space<vmem>>
    %dma_start3A_8 = arith.constant 0 : i32
    %dma_start3A_9 = tpu.memref_slice %arg5[%dma_start3A, %dma_start3A_8] : memref<512x128xi32, #tpu.memory_space<vmem>> -> memref<1x56xi32, #tpu.memory_space<vmem>>
    %dma_start3A_10 = tpu.memref_squeeze %dma_start3A_9 : memref<1x56xi32, #tpu.memory_space<vmem>> -> memref<56xi32, #tpu.memory_space<vmem>>
    %dma_start3A_11 = arith.constant 0 : i32
    %dma_start3A_12 = arith.constant 0 : i32
    %dma_start3A_13 = tpu.memref_slice %arg3[%dma_start3A_11, %dma_start3A_12] : memref<1000000x128xf32, #tpu.memory_space<hbm>> -> memref<1000000x128xf32, #tpu.memory_space<hbm>>
    tpu.enqueue_indirect_dma source(%dma_start3A_13 : memref<1000000x128xf32, #tpu.memory_space<hbm>>) target(%dma_start3A_7 : memref<56x128xf32, #tpu.memory_space<vmem>>) offsets(%dma_start3A_10 : memref<56xi32, #tpu.memory_space<vmem>>) semaphore(%arg8 : memref<!tpu.dma_semaphore, #tpu.memory_space<semaphore_mem>>)
    %dma_start3A_14 = arith.constant 1 : i32
    %dma_start3A_15 = arith.constant 1 : i32
    %dma_start3A_16 = arith.constant 0 : i32
    %dma_start3A_17 = arith.constant 0 : i32
    %dma_start3A_18 = tpu.memref_slice %arg6[%dma_start3A_15, %dma_start3A_16, %dma_start3A_17] : memref<4x56x128xf32, #tpu.memory_space<vmem>> -> memref<1x56x128xf32, #tpu.memory_space<vmem>>
    %dma_start3A_19 = tpu.memref_squeeze %dma_start3A_18 : memref<1x56x128xf32, #tpu.memory_space<vmem>> -> memref<56x128xf32, #tpu.memory_space<vmem>>
    %dma_start3A_20 = arith.constant 0 : i32
    %dma_start3A_21 = tpu.memref_slice %arg5[%dma_start3A_14, %dma_start3A_20] : memref<512x128xi32, #tpu.memory_space<vmem>> -> memref<1x56xi32, #tpu.memory_space<vmem>>
    %dma_start3A_22 = tpu.memref_squeeze %dma_start3A_21 : memref<1x56xi32, #tpu.memory_space<vmem>> -> memref<56xi32, #tpu.memory_space<vmem>>
    %dma_start3A_23 = arith.constant 0 : i32
    %dma_start3A_24 = arith.constant 0 : i32
    %dma_start3A_25 = tpu.memref_slice %arg3[%dma_start3A_23, %dma_start3A_24] : memref<1000000x128xf32, #tpu.memory_space<hbm>> -> memref<1000000x128xf32, #tpu.memory_space<hbm>>
    tpu.enqueue_indirect_dma source(%dma_start3A_25 : memref<1000000x128xf32, #tpu.memory_space<hbm>>) target(%dma_start3A_19 : memref<56x128xf32, #tpu.memory_space<vmem>>) offsets(%dma_start3A_22 : memref<56xi32, #tpu.memory_space<vmem>>) semaphore(%arg8 : memref<!tpu.dma_semaphore, #tpu.memory_space<semaphore_mem>>)
    %dma_start3A_26 = arith.constant 2 : i32
    %dma_start3A_27 = arith.constant 2 : i32
    %dma_start3A_28 = arith.constant 0 : i32
    %dma_start3A_29 = arith.constant 0 : i32
    %dma_start3A_30 = tpu.memref_slice %arg6[%dma_start3A_27, %dma_start3A_28, %dma_start3A_29] : memref<4x56x128xf32, #tpu.memory_space<vmem>> -> memref<1x56x128xf32, #tpu.memory_space<vmem>>
    %dma_start3A_31 = tpu.memref_squeeze %dma_start3A_30 : memref<1x56x128xf32, #tpu.memory_space<vmem>> -> memref<56x128xf32, #tpu.memory_space<vmem>>
    %dma_start3A_32 = arith.constant 0 : i32
    %dma_start3A_33 = tpu.memref_slice %arg5[%dma_start3A_26, %dma_start3A_32] : memref<512x128xi32, #tpu.memory_space<vmem>> -> memref<1x56xi32, #tpu.memory_space<vmem>>
    %dma_start3A_34 = tpu.memref_squeeze %dma_start3A_33 : memref<1x56xi32, #tpu.memory_space<vmem>> -> memref<56xi32, #tpu.memory_space<vmem>>
    %dma_start3A_35 = arith.constant 0 : i32
    %dma_start3A_36 = arith.constant 0 : i32
    %dma_start3A_37 = tpu.memref_slice %arg3[%dma_start3A_35, %dma_start3A_36] : memref<1000000x128xf32, #tpu.memory_space<hbm>> -> memref<1000000x128xf32, #tpu.memory_space<hbm>>
    tpu.enqueue_indirect_dma source(%dma_start3A_37 : memref<1000000x128xf32, #tpu.memory_space<hbm>>) target(%dma_start3A_31 : memref<56x128xf32, #tpu.memory_space<vmem>>) offsets(%dma_start3A_34 : memref<56xi32, #tpu.memory_space<vmem>>) semaphore(%arg8 : memref<!tpu.dma_semaphore, #tpu.memory_space<semaphore_mem>>)
    %dma_start3A_38 = arith.constant 3 : i32
    %dma_start3A_39 = arith.constant 3 : i32
    %dma_start3A_40 = arith.constant 0 : i32
    %dma_start3A_41 = arith.constant 0 : i32
    %dma_start3A_42 = tpu.memref_slice %arg6[%dma_start3A_39, %dma_start3A_40, %dma_start3A_41] : memref<4x56x128xf32, #tpu.memory_space<vmem>> -> memref<1x56x128xf32, #tpu.memory_space<vmem>>
    %dma_start3A_43 = tpu.memref_squeeze %dma_start3A_42 : memref<1x56x128xf32, #tpu.memory_space<vmem>> -> memref<56x128xf32, #tpu.memory_space<vmem>>
    %dma_start3A_44 = arith.constant 0 : i32
    %dma_start3A_45 = tpu.memref_slice %arg5[%dma_start3A_38, %dma_start3A_44] : memref<512x128xi32, #tpu.memory_space<vmem>> -> memref<1x56xi32, #tpu.memory_space<vmem>>
    %dma_start3A_46 = tpu.memref_squeeze %dma_start3A_45 : memref<1x56xi32, #tpu.memory_space<vmem>> -> memref<56xi32, #tpu.memory_space<vmem>>
    %dma_start3A_47 = arith.constant 0 : i32
    %dma_start3A_48 = arith.constant 0 : i32
    %dma_start3A_49 = tpu.memref_slice %arg3[%dma_start3A_47, %dma_start3A_48] : memref<1000000x128xf32, #tpu.memory_space<hbm>> -> memref<1000000x128xf32, #tpu.memory_space<hbm>>
    tpu.enqueue_indirect_dma source(%dma_start3A_49 : memref<1000000x128xf32, #tpu.memory_space<hbm>>) target(%dma_start3A_43 : memref<56x128xf32, #tpu.memory_space<vmem>>) offsets(%dma_start3A_46 : memref<56xi32, #tpu.memory_space<vmem>>) semaphore(%arg8 : memref<!tpu.dma_semaphore, #tpu.memory_space<semaphore_mem>>)
    %scan3A = arith.constant 0 : i32
    %scan3A_50 = arith.constant 64 : i32
    %scan3A_51 = arith.addi %scan3A, %scan3A_50 : i32
    %scan3A_52 = arith.constant 1 : i32
    scf.for %scan3A_81 = %scan3A to %scan3A_51 step %scan3A_52  : i32 {
      %mul3A_82 = arith.constant 2 : i32
      %mul3A_83 = arith.muli %scan3A_81, %mul3A_82 : i32
      %ge3A = arith.constant 1 : i32
      %ge3A_84 = arith.cmpi sge, %scan3A_81, %ge3A : i32
      %convert_element_type3A = arith.extui %ge3A_84 : i1 to i32
      %cond3A = arith.constant 0 : i32
      %cond3A_85 = arith.cmpi ne, %convert_element_type3A, %cond3A : i32
      scf.if %cond3A_85 {
        %dma_wait3A_310 = arith.constant 0 : i32
        %dma_wait3A_311 = arith.constant 0 : i32
        %dma_wait3A_312 = arith.constant 0 : i32
        %dma_wait3A_313 = tpu.memref_slice %arg7[%dma_wait3A_310, %dma_wait3A_311, %dma_wait3A_312] : memref<4x56x128xf32, #tpu.memory_space<vmem>> -> memref<4x50x32xf32, #tpu.memory_space<vmem>>
        %dma_wait3A_314 = arith.constant 0 : i32
        %dma_wait3A_315 = arith.constant 0 : i32
        %dma_wait3A_316 = tpu.memref_slice %arg4[%mul3A_2, %dma_wait3A_314, %dma_wait3A_315] : memref<16384x50x32xf32, #tpu.memory_space<hbm>> -> memref<4x50x32xf32, #tpu.memory_space<hbm>>
        %dma_wait3A_317 = arith.constant 0 : i32
        %dma_wait3A_318 = arith.constant 0 : i32
        %dma_wait3A_319 = tpu.memref_slice %arg4[%mul3A_2, %dma_wait3A_317, %dma_wait3A_318] : memref<16384x50x32xf32, #tpu.memory_space<hbm>> -> memref<4x50x32xf32, #tpu.memory_space<hbm>>
        %dma_wait3A_320 = arith.constant 0 : i32
        %dma_wait3A_321 = arith.constant 0 : i32
        %dma_wait3A_322 = arith.constant 0 : i32
        %dma_wait3A_323 = tpu.memref_slice %arg7[%dma_wait3A_320, %dma_wait3A_321, %dma_wait3A_322] : memref<4x56x128xf32, #tpu.memory_space<vmem>> -> memref<4x50x32xf32, #tpu.memory_space<vmem>>
        tpu.wait_dma2 semaphore(%arg11 : memref<!tpu.dma_semaphore, #tpu.memory_space<semaphore_mem>>) src(%dma_wait3A_323 : memref<4x50x32xf32, #tpu.memory_space<vmem>>) dst(%dma_wait3A_319 : memref<4x50x32xf32, #tpu.memory_space<hbm>>)
      } else {
      }
      %add3A_86 = arith.constant 1 : i32
      %add3A_87 = arith.addi %mul3A_83, %add3A_86 : i32
      %mul3A_88 = arith.constant 4 : i32
      %mul3A_89 = arith.muli %add3A_87, %mul3A_88 : i32
      %add3A_90 = arith.constant 0 : i32
      %add3A_91 = arith.addi %mul3A_89, %add3A_90 : i32
      %dma_start3A_92 = arith.constant 0 : i32
      %dma_start3A_93 = arith.constant 0 : i32
      %dma_start3A_94 = arith.constant 0 : i32
      %dma_start3A_95 = tpu.memref_slice %arg7[%dma_start3A_92, %dma_start3A_93, %dma_start3A_94] : memref<4x56x128xf32, #tpu.memory_space<vmem>> -> memref<1x56x128xf32, #tpu.memory_space<vmem>>
      %dma_start3A_96 = tpu.memref_squeeze %dma_start3A_95 : memref<1x56x128xf32, #tpu.memory_space<vmem>> -> memref<56x128xf32, #tpu.memory_space<vmem>>
      %dma_start3A_97 = arith.constant 0 : i32
      %dma_start3A_98 = tpu.memref_slice %arg5[%add3A_91, %dma_start3A_97] : memref<512x128xi32, #tpu.memory_space<vmem>> -> memref<1x56xi32, #tpu.memory_space<vmem>>
      %dma_start3A_99 = tpu.memref_squeeze %dma_start3A_98 : memref<1x56xi32, #tpu.memory_space<vmem>> -> memref<56xi32, #tpu.memory_space<vmem>>
      %dma_start3A_100 = arith.constant 0 : i32
      %dma_start3A_101 = arith.constant 0 : i32
      %dma_start3A_102 = tpu.memref_slice %arg3[%dma_start3A_100, %dma_start3A_101] : memref<1000000x128xf32, #tpu.memory_space<hbm>> -> memref<1000000x128xf32, #tpu.memory_space<hbm>>
      tpu.enqueue_indirect_dma source(%dma_start3A_102 : memref<1000000x128xf32, #tpu.memory_space<hbm>>) target(%dma_start3A_96 : memref<56x128xf32, #tpu.memory_space<vmem>>) offsets(%dma_start3A_99 : memref<56xi32, #tpu.memory_space<vmem>>) semaphore(%arg9 : memref<!tpu.dma_semaphore, #tpu.memory_space<semaphore_mem>>)
      %mul3A_103 = arith.constant 4 : i32
      %mul3A_104 = arith.muli %add3A_87, %mul3A_103 : i32
      %add3A_105 = arith.constant 1 : i32
      %add3A_106 = arith.addi %mul3A_104, %add3A_105 : i32
      %dma_start3A_107 = arith.constant 1 : i32
      %dma_start3A_108 = arith.constant 0 : i32
      %dma_start3A_109 = arith.constant 0 : i32
      %dma_start3A_110 = tpu.memref_slice %arg7[%dma_start3A_107, %dma_start3A_108, %dma_start3A_109] : memref<4x56x128xf32, #tpu.memory_space<vmem>> -> memref<1x56x128xf32, #tpu.memory_space<vmem>>
      %dma_start3A_111 = tpu.memref_squeeze %dma_start3A_110 : memref<1x56x128xf32, #tpu.memory_space<vmem>> -> memref<56x128xf32, #tpu.memory_space<vmem>>
      %dma_start3A_112 = arith.constant 0 : i32
      %dma_start3A_113 = tpu.memref_slice %arg5[%add3A_106, %dma_start3A_112] : memref<512x128xi32, #tpu.memory_space<vmem>> -> memref<1x56xi32, #tpu.memory_space<vmem>>
      %dma_start3A_114 = tpu.memref_squeeze %dma_start3A_113 : memref<1x56xi32, #tpu.memory_space<vmem>> -> memref<56xi32, #tpu.memory_space<vmem>>
      %dma_start3A_115 = arith.constant 0 : i32
      %dma_start3A_116 = arith.constant 0 : i32
      %dma_start3A_117 = tpu.memref_slice %arg3[%dma_start3A_115, %dma_start3A_116] : memref<1000000x128xf32, #tpu.memory_space<hbm>> -> memref<1000000x128xf32, #tpu.memory_space<hbm>>
      tpu.enqueue_indirect_dma source(%dma_start3A_117 : memref<1000000x128xf32, #tpu.memory_space<hbm>>) target(%dma_start3A_111 : memref<56x128xf32, #tpu.memory_space<vmem>>) offsets(%dma_start3A_114 : memref<56xi32, #tpu.memory_space<vmem>>) semaphore(%arg9 : memref<!tpu.dma_semaphore, #tpu.memory_space<semaphore_mem>>)
      %mul3A_118 = arith.constant 4 : i32
      %mul3A_119 = arith.muli %add3A_87, %mul3A_118 : i32
      %add3A_120 = arith.constant 2 : i32
      %add3A_121 = arith.addi %mul3A_119, %add3A_120 : i32
      %dma_start3A_122 = arith.constant 2 : i32
      %dma_start3A_123 = arith.constant 0 : i32
      %dma_start3A_124 = arith.constant 0 : i32
      %dma_start3A_125 = tpu.memref_slice %arg7[%dma_start3A_122, %dma_start3A_123, %dma_start3A_124] : memref<4x56x128xf32, #tpu.memory_space<vmem>> -> memref<1x56x128xf32, #tpu.memory_space<vmem>>
      %dma_start3A_126 = tpu.memref_squeeze %dma_start3A_125 : memref<1x56x128xf32, #tpu.memory_space<vmem>> -> memref<56x128xf32, #tpu.memory_space<vmem>>
      %dma_start3A_127 = arith.constant 0 : i32
      %dma_start3A_128 = tpu.memref_slice %arg5[%add3A_121, %dma_start3A_127] : memref<512x128xi32, #tpu.memory_space<vmem>> -> memref<1x56xi32, #tpu.memory_space<vmem>>
      %dma_start3A_129 = tpu.memref_squeeze %dma_start3A_128 : memref<1x56xi32, #tpu.memory_space<vmem>> -> memref<56xi32, #tpu.memory_space<vmem>>
      %dma_start3A_130 = arith.constant 0 : i32
      %dma_start3A_131 = arith.constant 0 : i32
      %dma_start3A_132 = tpu.memref_slice %arg3[%dma_start3A_130, %dma_start3A_131] : memref<1000000x128xf32, #tpu.memory_space<hbm>> -> memref<1000000x128xf32, #tpu.memory_space<hbm>>
      tpu.enqueue_indirect_dma source(%dma_start3A_132 : memref<1000000x128xf32, #tpu.memory_space<hbm>>) target(%dma_start3A_126 : memref<56x128xf32, #tpu.memory_space<vmem>>) offsets(%dma_start3A_129 : memref<56xi32, #tpu.memory_space<vmem>>) semaphore(%arg9 : memref<!tpu.dma_semaphore, #tpu.memory_space<semaphore_mem>>)
      %mul3A_133 = arith.constant 4 : i32
      %mul3A_134 = arith.muli %add3A_87, %mul3A_133 : i32
      %add3A_135 = arith.constant 3 : i32
      %add3A_136 = arith.addi %mul3A_134, %add3A_135 : i32
      %dma_start3A_137 = arith.constant 3 : i32
      %dma_start3A_138 = arith.constant 0 : i32
      %dma_start3A_139 = arith.constant 0 : i32
      %dma_start3A_140 = tpu.memref_slice %arg7[%dma_start3A_137, %dma_start3A_138, %dma_start3A_139] : memref<4x56x128xf32, #tpu.memory_space<vmem>> -> memref<1x56x128xf32, #tpu.memory_space<vmem>>
      %dma_start3A_141 = tpu.memref_squeeze %dma_start3A_140 : memref<1x56x128xf32, #tpu.memory_space<vmem>> -> memref<56x128xf32, #tpu.memory_space<vmem>>
      %dma_start3A_142 = arith.constant 0 : i32
      %dma_start3A_143 = tpu.memref_slice %arg5[%add3A_136, %dma_start3A_142] : memref<512x128xi32, #tpu.memory_space<vmem>> -> memref<1x56xi32, #tpu.memory_space<vmem>>
      %dma_start3A_144 = tpu.memref_squeeze %dma_start3A_143 : memref<1x56xi32, #tpu.memory_space<vmem>> -> memref<56xi32, #tpu.memory_space<vmem>>
      %dma_start3A_145 = arith.constant 0 : i32
      %dma_start3A_146 = arith.constant 0 : i32
      %dma_start3A_147 = tpu.memref_slice %arg3[%dma_start3A_145, %dma_start3A_146] : memref<1000000x128xf32, #tpu.memory_space<hbm>> -> memref<1000000x128xf32, #tpu.memory_space<hbm>>
      tpu.enqueue_indirect_dma source(%dma_start3A_147 : memref<1000000x128xf32, #tpu.memory_space<hbm>>) target(%dma_start3A_141 : memref<56x128xf32, #tpu.memory_space<vmem>>) offsets(%dma_start3A_144 : memref<56xi32, #tpu.memory_space<vmem>>) semaphore(%arg9 : memref<!tpu.dma_semaphore, #tpu.memory_space<semaphore_mem>>)
      %dma_wait3A_148 = arith.constant 0 : i32
      %dma_wait3A_149 = arith.constant 0 : i32
      %dma_wait3A_150 = arith.constant 0 : i32
      %dma_wait3A_151 = tpu.memref_slice %arg6[%dma_wait3A_148, %dma_wait3A_149, %dma_wait3A_150] : memref<4x56x128xf32, #tpu.memory_space<vmem>> -> memref<1x56x128xf32, #tpu.memory_space<vmem>>
      %dma_wait3A_152 = tpu.memref_squeeze %dma_wait3A_151 : memref<1x56x128xf32, #tpu.memory_space<vmem>> -> memref<56x128xf32, #tpu.memory_space<vmem>>
      %dma_wait3A_153 = arith.constant 0 : i32
      %dma_wait3A_154 = arith.constant 0 : i32
      %dma_wait3A_155 = tpu.memref_slice %arg3[%dma_wait3A_153, %dma_wait3A_154] : memref<1000000x128xf32, #tpu.memory_space<hbm>> -> memref<56x128xf32, #tpu.memory_space<hbm>>
      %dma_wait3A_156 = arith.constant 0 : i32
      %dma_wait3A_157 = arith.constant 0 : i32
      %dma_wait3A_158 = tpu.memref_slice %arg6[%dma_wait3A_148, %dma_wait3A_156, %dma_wait3A_157] : memref<4x56x128xf32, #tpu.memory_space<vmem>> -> memref<1x56x128xf32, #tpu.memory_space<vmem>>
      %dma_wait3A_159 = tpu.memref_squeeze %dma_wait3A_158 : memref<1x56x128xf32, #tpu.memory_space<vmem>> -> memref<56x128xf32, #tpu.memory_space<vmem>>
      %dma_wait3A_160 = arith.constant 0 : i32
      %dma_wait3A_161 = arith.constant 0 : i32
      %dma_wait3A_162 = tpu.memref_slice %arg3[%dma_wait3A_160, %dma_wait3A_161] : memref<1000000x128xf32, #tpu.memory_space<hbm>> -> memref<56x128xf32, #tpu.memory_space<hbm>>
      tpu.wait_dma2 semaphore(%arg8 : memref<!tpu.dma_semaphore, #tpu.memory_space<semaphore_mem>>) src(%dma_wait3A_162 : memref<56x128xf32, #tpu.memory_space<hbm>>) dst(%dma_wait3A_159 : memref<56x128xf32, #tpu.memory_space<vmem>>)
      %dma_wait3A_163 = arith.constant 1 : i32
      %dma_wait3A_164 = arith.constant 0 : i32
      %dma_wait3A_165 = arith.constant 0 : i32
      %dma_wait3A_166 = tpu.memref_slice %arg6[%dma_wait3A_163, %dma_wait3A_164, %dma_wait3A_165] : memref<4x56x128xf32, #tpu.memory_space<vmem>> -> memref<1x56x128xf32, #tpu.memory_space<vmem>>
      %dma_wait3A_167 = tpu.memref_squeeze %dma_wait3A_166 : memref<1x56x128xf32, #tpu.memory_space<vmem>> -> memref<56x128xf32, #tpu.memory_space<vmem>>
      %dma_wait3A_168 = arith.constant 0 : i32
      %dma_wait3A_169 = arith.constant 0 : i32
      %dma_wait3A_170 = tpu.memref_slice %arg3[%dma_wait3A_168, %dma_wait3A_169] : memref<1000000x128xf32, #tpu.memory_space<hbm>> -> memref<56x128xf32, #tpu.memory_space<hbm>>
      %dma_wait3A_171 = arith.constant 0 : i32
      %dma_wait3A_172 = arith.constant 0 : i32
      %dma_wait3A_173 = tpu.memref_slice %arg6[%dma_wait3A_163, %dma_wait3A_171, %dma_wait3A_172] : memref<4x56x128xf32, #tpu.memory_space<vmem>> -> memref<1x56x128xf32, #tpu.memory_space<vmem>>
      %dma_wait3A_174 = tpu.memref_squeeze %dma_wait3A_173 : memref<1x56x128xf32, #tpu.memory_space<vmem>> -> memref<56x128xf32, #tpu.memory_space<vmem>>
      %dma_wait3A_175 = arith.constant 0 : i32
      %dma_wait3A_176 = arith.constant 0 : i32
      %dma_wait3A_177 = tpu.memref_slice %arg3[%dma_wait3A_175, %dma_wait3A_176] : memref<1000000x128xf32, #tpu.memory_space<hbm>> -> memref<56x128xf32, #tpu.memory_space<hbm>>
      tpu.wait_dma2 semaphore(%arg8 : memref<!tpu.dma_semaphore, #tpu.memory_space<semaphore_mem>>) src(%dma_wait3A_177 : memref<56x128xf32, #tpu.memory_space<hbm>>) dst(%dma_wait3A_174 : memref<56x128xf32, #tpu.memory_space<vmem>>)
      %dma_wait3A_178 = arith.constant 2 : i32
      %dma_wait3A_179 = arith.constant 0 : i32
      %dma_wait3A_180 = arith.constant 0 : i32
      %dma_wait3A_181 = tpu.memref_slice %arg6[%dma_wait3A_178, %dma_wait3A_179, %dma_wait3A_180] : memref<4x56x128xf32, #tpu.memory_space<vmem>> -> memref<1x56x128xf32, #tpu.memory_space<vmem>>
      %dma_wait3A_182 = tpu.memref_squeeze %dma_wait3A_181 : memref<1x56x128xf32, #tpu.memory_space<vmem>> -> memref<56x128xf32, #tpu.memory_space<vmem>>
      %dma_wait3A_183 = arith.constant 0 : i32
      %dma_wait3A_184 = arith.constant 0 : i32
      %dma_wait3A_185 = tpu.memref_slice %arg3[%dma_wait3A_183, %dma_wait3A_184] : memref<1000000x128xf32, #tpu.memory_space<hbm>> -> memref<56x128xf32, #tpu.memory_space<hbm>>
      %dma_wait3A_186 = arith.constant 0 : i32
      %dma_wait3A_187 = arith.constant 0 : i32
      %dma_wait3A_188 = tpu.memref_slice %arg6[%dma_wait3A_178, %dma_wait3A_186, %dma_wait3A_187] : memref<4x56x128xf32, #tpu.memory_space<vmem>> -> memref<1x56x128xf32, #tpu.memory_space<vmem>>
      %dma_wait3A_189 = tpu.memref_squeeze %dma_wait3A_188 : memref<1x56x128xf32, #tpu.memory_space<vmem>> -> memref<56x128xf32, #tpu.memory_space<vmem>>
      %dma_wait3A_190 = arith.constant 0 : i32
      %dma_wait3A_191 = arith.constant 0 : i32
      %dma_wait3A_192 = tpu.memref_slice %arg3[%dma_wait3A_190, %dma_wait3A_191] : memref<1000000x128xf32, #tpu.memory_space<hbm>> -> memref<56x128xf32, #tpu.memory_space<hbm>>
      tpu.wait_dma2 semaphore(%arg8 : memref<!tpu.dma_semaphore, #tpu.memory_space<semaphore_mem>>) src(%dma_wait3A_192 : memref<56x128xf32, #tpu.memory_space<hbm>>) dst(%dma_wait3A_189 : memref<56x128xf32, #tpu.memory_space<vmem>>)
      %dma_wait3A_193 = arith.constant 3 : i32
      %dma_wait3A_194 = arith.constant 0 : i32
      %dma_wait3A_195 = arith.constant 0 : i32
      %dma_wait3A_196 = tpu.memref_slice %arg6[%dma_wait3A_193, %dma_wait3A_194, %dma_wait3A_195] : memref<4x56x128xf32, #tpu.memory_space<vmem>> -> memref<1x56x128xf32, #tpu.memory_space<vmem>>
      %dma_wait3A_197 = tpu.memref_squeeze %dma_wait3A_196 : memref<1x56x128xf32, #tpu.memory_space<vmem>> -> memref<56x128xf32, #tpu.memory_space<vmem>>
      %dma_wait3A_198 = arith.constant 0 : i32
      %dma_wait3A_199 = arith.constant 0 : i32
      %dma_wait3A_200 = tpu.memref_slice %arg3[%dma_wait3A_198, %dma_wait3A_199] : memref<1000000x128xf32, #tpu.memory_space<hbm>> -> memref<56x128xf32, #tpu.memory_space<hbm>>
      %dma_wait3A_201 = arith.constant 0 : i32
      %dma_wait3A_202 = arith.constant 0 : i32
      %dma_wait3A_203 = tpu.memref_slice %arg6[%dma_wait3A_193, %dma_wait3A_201, %dma_wait3A_202] : memref<4x56x128xf32, #tpu.memory_space<vmem>> -> memref<1x56x128xf32, #tpu.memory_space<vmem>>
      %dma_wait3A_204 = tpu.memref_squeeze %dma_wait3A_203 : memref<1x56x128xf32, #tpu.memory_space<vmem>> -> memref<56x128xf32, #tpu.memory_space<vmem>>
      %dma_wait3A_205 = arith.constant 0 : i32
      %dma_wait3A_206 = arith.constant 0 : i32
      %dma_wait3A_207 = tpu.memref_slice %arg3[%dma_wait3A_205, %dma_wait3A_206] : memref<1000000x128xf32, #tpu.memory_space<hbm>> -> memref<56x128xf32, #tpu.memory_space<hbm>>
      tpu.wait_dma2 semaphore(%arg8 : memref<!tpu.dma_semaphore, #tpu.memory_space<semaphore_mem>>) src(%dma_wait3A_207 : memref<56x128xf32, #tpu.memory_space<hbm>>) dst(%dma_wait3A_204 : memref<56x128xf32, #tpu.memory_space<vmem>>)
      %mul3A_208 = arith.constant 4 : i32
      %mul3A_209 = arith.muli %mul3A_83, %mul3A_208 : i32
      %add3A_210 = arith.addi %mul3A_2, %mul3A_209 : i32
      %dma_start3A_211 = arith.constant 0 : i32
      %dma_start3A_212 = arith.constant 0 : i32
      %dma_start3A_213 = arith.constant 0 : i32
      %dma_start3A_214 = tpu.memref_slice %arg6[%dma_start3A_211, %dma_start3A_212, %dma_start3A_213] : memref<4x56x128xf32, #tpu.memory_space<vmem>> -> memref<4x50x32xf32, #tpu.memory_space<vmem>>
      %dma_start3A_215 = arith.constant 0 : i32
      %dma_start3A_216 = arith.constant 0 : i32
      %dma_start3A_217 = tpu.memref_slice %arg4[%add3A_210, %dma_start3A_215, %dma_start3A_216] : memref<16384x50x32xf32, #tpu.memory_space<hbm>> -> memref<4x50x32xf32, #tpu.memory_space<hbm>>
      %dma_start3A_218 = arith.constant 0 : i32
      %dma_start3A_219 = arith.constant 0 : i32
      %dma_start3A_220 = tpu.memref_slice %arg4[%add3A_210, %dma_start3A_218, %dma_start3A_219] : memref<16384x50x32xf32, #tpu.memory_space<hbm>> -> memref<4x50x32xf32, #tpu.memory_space<hbm>>
      %dma_start3A_221 = arith.constant 0 : i32
      %dma_start3A_222 = arith.constant 0 : i32
      %dma_start3A_223 = arith.constant 0 : i32
      %dma_start3A_224 = tpu.memref_slice %arg6[%dma_start3A_221, %dma_start3A_222, %dma_start3A_223] : memref<4x56x128xf32, #tpu.memory_space<vmem>> -> memref<4x50x32xf32, #tpu.memory_space<vmem>>
      tpu.enqueue_dma source(%dma_start3A_224 : memref<4x50x32xf32, #tpu.memory_space<vmem>>) target(%dma_start3A_220 : memref<4x50x32xf32, #tpu.memory_space<hbm>>) target_semaphore(%arg10 : memref<!tpu.dma_semaphore, #tpu.memory_space<semaphore_mem>>)
      %add3A_225 = arith.constant 2 : i32
      %add3A_226 = arith.addi %mul3A_83, %add3A_225 : i32
      %lt3A = arith.constant 128 : i32
      %lt3A_227 = arith.cmpi slt, %add3A_226, %lt3A : i32
      %convert_element_type3A_228 = arith.extui %lt3A_227 : i1 to i32
      %cond3A_229 = arith.constant 0 : i32
      %cond3A_230 = arith.cmpi ne, %convert_element_type3A_228, %cond3A_229 : i32
      scf.if %cond3A_230 {
        %dma_wait3A_310 = arith.constant 0 : i32
        %dma_wait3A_311 = arith.constant 0 : i32
        %dma_wait3A_312 = arith.constant 0 : i32
        %dma_wait3A_313 = tpu.memref_slice %arg6[%dma_wait3A_310, %dma_wait3A_311, %dma_wait3A_312] : memref<4x56x128xf32, #tpu.memory_space<vmem>> -> memref<4x50x32xf32, #tpu.memory_space<vmem>>
        %dma_wait3A_314 = arith.constant 0 : i32
        %dma_wait3A_315 = arith.constant 0 : i32
        %dma_wait3A_316 = tpu.memref_slice %arg4[%mul3A_2, %dma_wait3A_314, %dma_wait3A_315] : memref<16384x50x32xf32, #tpu.memory_space<hbm>> -> memref<4x50x32xf32, #tpu.memory_space<hbm>>
        %dma_wait3A_317 = arith.constant 0 : i32
        %dma_wait3A_318 = arith.constant 0 : i32
        %dma_wait3A_319 = tpu.memref_slice %arg4[%mul3A_2, %dma_wait3A_317, %dma_wait3A_318] : memref<16384x50x32xf32, #tpu.memory_space<hbm>> -> memref<4x50x32xf32, #tpu.memory_space<hbm>>
        %dma_wait3A_320 = arith.constant 0 : i32
        %dma_wait3A_321 = arith.constant 0 : i32
        %dma_wait3A_322 = arith.constant 0 : i32
        %dma_wait3A_323 = tpu.memref_slice %arg6[%dma_wait3A_320, %dma_wait3A_321, %dma_wait3A_322] : memref<4x56x128xf32, #tpu.memory_space<vmem>> -> memref<4x50x32xf32, #tpu.memory_space<vmem>>
        tpu.wait_dma2 semaphore(%arg10 : memref<!tpu.dma_semaphore, #tpu.memory_space<semaphore_mem>>) src(%dma_wait3A_323 : memref<4x50x32xf32, #tpu.memory_space<vmem>>) dst(%dma_wait3A_319 : memref<4x50x32xf32, #tpu.memory_space<hbm>>)
        %add3A_324 = arith.constant 2 : i32
        %add3A_325 = arith.addi %mul3A_83, %add3A_324 : i32
        %mul3A_326 = arith.constant 4 : i32
        %mul3A_327 = arith.muli %add3A_325, %mul3A_326 : i32
        %add3A_328 = arith.constant 0 : i32
        %add3A_329 = arith.addi %mul3A_327, %add3A_328 : i32
        %dma_start3A_330 = arith.constant 0 : i32
        %dma_start3A_331 = arith.constant 0 : i32
        %dma_start3A_332 = arith.constant 0 : i32
        %dma_start3A_333 = tpu.memref_slice %arg6[%dma_start3A_330, %dma_start3A_331, %dma_start3A_332] : memref<4x56x128xf32, #tpu.memory_space<vmem>> -> memref<1x56x128xf32, #tpu.memory_space<vmem>>
        %dma_start3A_334 = tpu.memref_squeeze %dma_start3A_333 : memref<1x56x128xf32, #tpu.memory_space<vmem>> -> memref<56x128xf32, #tpu.memory_space<vmem>>
        %dma_start3A_335 = arith.constant 0 : i32
        %dma_start3A_336 = tpu.memref_slice %arg5[%add3A_329, %dma_start3A_335] : memref<512x128xi32, #tpu.memory_space<vmem>> -> memref<1x56xi32, #tpu.memory_space<vmem>>
        %dma_start3A_337 = tpu.memref_squeeze %dma_start3A_336 : memref<1x56xi32, #tpu.memory_space<vmem>> -> memref<56xi32, #tpu.memory_space<vmem>>
        %dma_start3A_338 = arith.constant 0 : i32
        %dma_start3A_339 = arith.constant 0 : i32
        %dma_start3A_340 = tpu.memref_slice %arg3[%dma_start3A_338, %dma_start3A_339] : memref<1000000x128xf32, #tpu.memory_space<hbm>> -> memref<1000000x128xf32, #tpu.memory_space<hbm>>
        tpu.enqueue_indirect_dma source(%dma_start3A_340 : memref<1000000x128xf32, #tpu.memory_space<hbm>>) target(%dma_start3A_334 : memref<56x128xf32, #tpu.memory_space<vmem>>) offsets(%dma_start3A_337 : memref<56xi32, #tpu.memory_space<vmem>>) semaphore(%arg8 : memref<!tpu.dma_semaphore, #tpu.memory_space<semaphore_mem>>)
        %mul3A_341 = arith.constant 4 : i32
        %mul3A_342 = arith.muli %add3A_325, %mul3A_341 : i32
        %add3A_343 = arith.constant 1 : i32
        %add3A_344 = arith.addi %mul3A_342, %add3A_343 : i32
        %dma_start3A_345 = arith.constant 1 : i32
        %dma_start3A_346 = arith.constant 0 : i32
        %dma_start3A_347 = arith.constant 0 : i32
        %dma_start3A_348 = tpu.memref_slice %arg6[%dma_start3A_345, %dma_start3A_346, %dma_start3A_347] : memref<4x56x128xf32, #tpu.memory_space<vmem>> -> memref<1x56x128xf32, #tpu.memory_space<vmem>>
        %dma_start3A_349 = tpu.memref_squeeze %dma_start3A_348 : memref<1x56x128xf32, #tpu.memory_space<vmem>> -> memref<56x128xf32, #tpu.memory_space<vmem>>
        %dma_start3A_350 = arith.constant 0 : i32
        %dma_start3A_351 = tpu.memref_slice %arg5[%add3A_344, %dma_start3A_350] : memref<512x128xi32, #tpu.memory_space<vmem>> -> memref<1x56xi32, #tpu.memory_space<vmem>>
        %dma_start3A_352 = tpu.memref_squeeze %dma_start3A_351 : memref<1x56xi32, #tpu.memory_space<vmem>> -> memref<56xi32, #tpu.memory_space<vmem>>
        %dma_start3A_353 = arith.constant 0 : i32
        %dma_start3A_354 = arith.constant 0 : i32
        %dma_start3A_355 = tpu.memref_slice %arg3[%dma_start3A_353, %dma_start3A_354] : memref<1000000x128xf32, #tpu.memory_space<hbm>> -> memref<1000000x128xf32, #tpu.memory_space<hbm>>
        tpu.enqueue_indirect_dma source(%dma_start3A_355 : memref<1000000x128xf32, #tpu.memory_space<hbm>>) target(%dma_start3A_349 : memref<56x128xf32, #tpu.memory_space<vmem>>) offsets(%dma_start3A_352 : memref<56xi32, #tpu.memory_space<vmem>>) semaphore(%arg8 : memref<!tpu.dma_semaphore, #tpu.memory_space<semaphore_mem>>)
        %mul3A_356 = arith.constant 4 : i32
        %mul3A_357 = arith.muli %add3A_325, %mul3A_356 : i32
        %add3A_358 = arith.constant 2 : i32
        %add3A_359 = arith.addi %mul3A_357, %add3A_358 : i32
        %dma_start3A_360 = arith.constant 2 : i32
        %dma_start3A_361 = arith.constant 0 : i32
        %dma_start3A_362 = arith.constant 0 : i32
        %dma_start3A_363 = tpu.memref_slice %arg6[%dma_start3A_360, %dma_start3A_361, %dma_start3A_362] : memref<4x56x128xf32, #tpu.memory_space<vmem>> -> memref<1x56x128xf32, #tpu.memory_space<vmem>>
        %dma_start3A_364 = tpu.memref_squeeze %dma_start3A_363 : memref<1x56x128xf32, #tpu.memory_space<vmem>> -> memref<56x128xf32, #tpu.memory_space<vmem>>
        %dma_start3A_365 = arith.constant 0 : i32
        %dma_start3A_366 = tpu.memref_slice %arg5[%add3A_359, %dma_start3A_365] : memref<512x128xi32, #tpu.memory_space<vmem>> -> memref<1x56xi32, #tpu.memory_space<vmem>>
        %dma_start3A_367 = tpu.memref_squeeze %dma_start3A_366 : memref<1x56xi32, #tpu.memory_space<vmem>> -> memref<56xi32, #tpu.memory_space<vmem>>
        %dma_start3A_368 = arith.constant 0 : i32
        %dma_start3A_369 = arith.constant 0 : i32
        %dma_start3A_370 = tpu.memref_slice %arg3[%dma_start3A_368, %dma_start3A_369] : memref<1000000x128xf32, #tpu.memory_space<hbm>> -> memref<1000000x128xf32, #tpu.memory_space<hbm>>
        tpu.enqueue_indirect_dma source(%dma_start3A_370 : memref<1000000x128xf32, #tpu.memory_space<hbm>>) target(%dma_start3A_364 : memref<56x128xf32, #tpu.memory_space<vmem>>) offsets(%dma_start3A_367 : memref<56xi32, #tpu.memory_space<vmem>>) semaphore(%arg8 : memref<!tpu.dma_semaphore, #tpu.memory_space<semaphore_mem>>)
        %mul3A_371 = arith.constant 4 : i32
        %mul3A_372 = arith.muli %add3A_325, %mul3A_371 : i32
        %add3A_373 = arith.constant 3 : i32
        %add3A_374 = arith.addi %mul3A_372, %add3A_373 : i32
        %dma_start3A_375 = arith.constant 3 : i32
        %dma_start3A_376 = arith.constant 0 : i32
        %dma_start3A_377 = arith.constant 0 : i32
        %dma_start3A_378 = tpu.memref_slice %arg6[%dma_start3A_375, %dma_start3A_376, %dma_start3A_377] : memref<4x56x128xf32, #tpu.memory_space<vmem>> -> memref<1x56x128xf32, #tpu.memory_space<vmem>>
        %dma_start3A_379 = tpu.memref_squeeze %dma_start3A_378 : memref<1x56x128xf32, #tpu.memory_space<vmem>> -> memref<56x128xf32, #tpu.memory_space<vmem>>
        %dma_start3A_380 = arith.constant 0 : i32
        %dma_start3A_381 = tpu.memref_slice %arg5[%add3A_374, %dma_start3A_380] : memref<512x128xi32, #tpu.memory_space<vmem>> -> memref<1x56xi32, #tpu.memory_space<vmem>>
        %dma_start3A_382 = tpu.memref_squeeze %dma_start3A_381 : memref<1x56xi32, #tpu.memory_space<vmem>> -> memref<56xi32, #tpu.memory_space<vmem>>
        %dma_start3A_383 = arith.constant 0 : i32
        %dma_start3A_384 = arith.constant 0 : i32
        %dma_start3A_385 = tpu.memref_slice %arg3[%dma_start3A_383, %dma_start3A_384] : memref<1000000x128xf32, #tpu.memory_space<hbm>> -> memref<1000000x128xf32, #tpu.memory_space<hbm>>
        tpu.enqueue_indirect_dma source(%dma_start3A_385 : memref<1000000x128xf32, #tpu.memory_space<hbm>>) target(%dma_start3A_379 : memref<56x128xf32, #tpu.memory_space<vmem>>) offsets(%dma_start3A_382 : memref<56xi32, #tpu.memory_space<vmem>>) semaphore(%arg8 : memref<!tpu.dma_semaphore, #tpu.memory_space<semaphore_mem>>)
      } else {
      }
      %dma_wait3A_231 = arith.constant 0 : i32
      %dma_wait3A_232 = arith.constant 0 : i32
      %dma_wait3A_233 = arith.constant 0 : i32
      %dma_wait3A_234 = tpu.memref_slice %arg7[%dma_wait3A_231, %dma_wait3A_232, %dma_wait3A_233] : memref<4x56x128xf32, #tpu.memory_space<vmem>> -> memref<1x56x128xf32, #tpu.memory_space<vmem>>
      %dma_wait3A_235 = tpu.memref_squeeze %dma_wait3A_234 : memref<1x56x128xf32, #tpu.memory_space<vmem>> -> memref<56x128xf32, #tpu.memory_space<vmem>>
      %dma_wait3A_236 = arith.constant 0 : i32
      %dma_wait3A_237 = arith.constant 0 : i32
      %dma_wait3A_238 = tpu.memref_slice %arg3[%dma_wait3A_236, %dma_wait3A_237] : memref<1000000x128xf32, #tpu.memory_space<hbm>> -> memref<56x128xf32, #tpu.memory_space<hbm>>
      %dma_wait3A_239 = arith.constant 0 : i32
      %dma_wait3A_240 = arith.constant 0 : i32
      %dma_wait3A_241 = tpu.memref_slice %arg7[%dma_wait3A_231, %dma_wait3A_239, %dma_wait3A_240] : memref<4x56x128xf32, #tpu.memory_space<vmem>> -> memref<1x56x128xf32, #tpu.memory_space<vmem>>
      %dma_wait3A_242 = tpu.memref_squeeze %dma_wait3A_241 : memref<1x56x128xf32, #tpu.memory_space<vmem>> -> memref<56x128xf32, #tpu.memory_space<vmem>>
      %dma_wait3A_243 = arith.constant 0 : i32
      %dma_wait3A_244 = arith.constant 0 : i32
      %dma_wait3A_245 = tpu.memref_slice %arg3[%dma_wait3A_243, %dma_wait3A_244] : memref<1000000x128xf32, #tpu.memory_space<hbm>> -> memref<56x128xf32, #tpu.memory_space<hbm>>
      tpu.wait_dma2 semaphore(%arg9 : memref<!tpu.dma_semaphore, #tpu.memory_space<semaphore_mem>>) src(%dma_wait3A_245 : memref<56x128xf32, #tpu.memory_space<hbm>>) dst(%dma_wait3A_242 : memref<56x128xf32, #tpu.memory_space<vmem>>)
      %dma_wait3A_246 = arith.constant 1 : i32
      %dma_wait3A_247 = arith.constant 0 : i32
      %dma_wait3A_248 = arith.constant 0 : i32
      %dma_wait3A_249 = tpu.memref_slice %arg7[%dma_wait3A_246, %dma_wait3A_247, %dma_wait3A_248] : memref<4x56x128xf32, #tpu.memory_space<vmem>> -> memref<1x56x128xf32, #tpu.memory_space<vmem>>
      %dma_wait3A_250 = tpu.memref_squeeze %dma_wait3A_249 : memref<1x56x128xf32, #tpu.memory_space<vmem>> -> memref<56x128xf32, #tpu.memory_space<vmem>>
      %dma_wait3A_251 = arith.constant 0 : i32
      %dma_wait3A_252 = arith.constant 0 : i32
      %dma_wait3A_253 = tpu.memref_slice %arg3[%dma_wait3A_251, %dma_wait3A_252] : memref<1000000x128xf32, #tpu.memory_space<hbm>> -> memref<56x128xf32, #tpu.memory_space<hbm>>
      %dma_wait3A_254 = arith.constant 0 : i32
      %dma_wait3A_255 = arith.constant 0 : i32
      %dma_wait3A_256 = tpu.memref_slice %arg7[%dma_wait3A_246, %dma_wait3A_254, %dma_wait3A_255] : memref<4x56x128xf32, #tpu.memory_space<vmem>> -> memref<1x56x128xf32, #tpu.memory_space<vmem>>
      %dma_wait3A_257 = tpu.memref_squeeze %dma_wait3A_256 : memref<1x56x128xf32, #tpu.memory_space<vmem>> -> memref<56x128xf32, #tpu.memory_space<vmem>>
      %dma_wait3A_258 = arith.constant 0 : i32
      %dma_wait3A_259 = arith.constant 0 : i32
      %dma_wait3A_260 = tpu.memref_slice %arg3[%dma_wait3A_258, %dma_wait3A_259] : memref<1000000x128xf32, #tpu.memory_space<hbm>> -> memref<56x128xf32, #tpu.memory_space<hbm>>
      tpu.wait_dma2 semaphore(%arg9 : memref<!tpu.dma_semaphore, #tpu.memory_space<semaphore_mem>>) src(%dma_wait3A_260 : memref<56x128xf32, #tpu.memory_space<hbm>>) dst(%dma_wait3A_257 : memref<56x128xf32, #tpu.memory_space<vmem>>)
      %dma_wait3A_261 = arith.constant 2 : i32
      %dma_wait3A_262 = arith.constant 0 : i32
      %dma_wait3A_263 = arith.constant 0 : i32
      %dma_wait3A_264 = tpu.memref_slice %arg7[%dma_wait3A_261, %dma_wait3A_262, %dma_wait3A_263] : memref<4x56x128xf32, #tpu.memory_space<vmem>> -> memref<1x56x128xf32, #tpu.memory_space<vmem>>
      %dma_wait3A_265 = tpu.memref_squeeze %dma_wait3A_264 : memref<1x56x128xf32, #tpu.memory_space<vmem>> -> memref<56x128xf32, #tpu.memory_space<vmem>>
      %dma_wait3A_266 = arith.constant 0 : i32
      %dma_wait3A_267 = arith.constant 0 : i32
      %dma_wait3A_268 = tpu.memref_slice %arg3[%dma_wait3A_266, %dma_wait3A_267] : memref<1000000x128xf32, #tpu.memory_space<hbm>> -> memref<56x128xf32, #tpu.memory_space<hbm>>
      %dma_wait3A_269 = arith.constant 0 : i32
      %dma_wait3A_270 = arith.constant 0 : i32
      %dma_wait3A_271 = tpu.memref_slice %arg7[%dma_wait3A_261, %dma_wait3A_269, %dma_wait3A_270] : memref<4x56x128xf32, #tpu.memory_space<vmem>> -> memref<1x56x128xf32, #tpu.memory_space<vmem>>
      %dma_wait3A_272 = tpu.memref_squeeze %dma_wait3A_271 : memref<1x56x128xf32, #tpu.memory_space<vmem>> -> memref<56x128xf32, #tpu.memory_space<vmem>>
      %dma_wait3A_273 = arith.constant 0 : i32
      %dma_wait3A_274 = arith.constant 0 : i32
      %dma_wait3A_275 = tpu.memref_slice %arg3[%dma_wait3A_273, %dma_wait3A_274] : memref<1000000x128xf32, #tpu.memory_space<hbm>> -> memref<56x128xf32, #tpu.memory_space<hbm>>
      tpu.wait_dma2 semaphore(%arg9 : memref<!tpu.dma_semaphore, #tpu.memory_space<semaphore_mem>>) src(%dma_wait3A_275 : memref<56x128xf32, #tpu.memory_space<hbm>>) dst(%dma_wait3A_272 : memref<56x128xf32, #tpu.memory_space<vmem>>)
      %dma_wait3A_276 = arith.constant 3 : i32
      %dma_wait3A_277 = arith.constant 0 : i32
      %dma_wait3A_278 = arith.constant 0 : i32
      %dma_wait3A_279 = tpu.memref_slice %arg7[%dma_wait3A_276, %dma_wait3A_277, %dma_wait3A_278] : memref<4x56x128xf32, #tpu.memory_space<vmem>> -> memref<1x56x128xf32, #tpu.memory_space<vmem>>
      %dma_wait3A_280 = tpu.memref_squeeze %dma_wait3A_279 : memref<1x56x128xf32, #tpu.memory_space<vmem>> -> memref<56x128xf32, #tpu.memory_space<vmem>>
      %dma_wait3A_281 = arith.constant 0 : i32
      %dma_wait3A_282 = arith.constant 0 : i32
      %dma_wait3A_283 = tpu.memref_slice %arg3[%dma_wait3A_281, %dma_wait3A_282] : memref<1000000x128xf32, #tpu.memory_space<hbm>> -> memref<56x128xf32, #tpu.memory_space<hbm>>
      %dma_wait3A_284 = arith.constant 0 : i32
      %dma_wait3A_285 = arith.constant 0 : i32
      %dma_wait3A_286 = tpu.memref_slice %arg7[%dma_wait3A_276, %dma_wait3A_284, %dma_wait3A_285] : memref<4x56x128xf32, #tpu.memory_space<vmem>> -> memref<1x56x128xf32, #tpu.memory_space<vmem>>
      %dma_wait3A_287 = tpu.memref_squeeze %dma_wait3A_286 : memref<1x56x128xf32, #tpu.memory_space<vmem>> -> memref<56x128xf32, #tpu.memory_space<vmem>>
      %dma_wait3A_288 = arith.constant 0 : i32
      %dma_wait3A_289 = arith.constant 0 : i32
      %dma_wait3A_290 = tpu.memref_slice %arg3[%dma_wait3A_288, %dma_wait3A_289] : memref<1000000x128xf32, #tpu.memory_space<hbm>> -> memref<56x128xf32, #tpu.memory_space<hbm>>
      tpu.wait_dma2 semaphore(%arg9 : memref<!tpu.dma_semaphore, #tpu.memory_space<semaphore_mem>>) src(%dma_wait3A_290 : memref<56x128xf32, #tpu.memory_space<hbm>>) dst(%dma_wait3A_287 : memref<56x128xf32, #tpu.memory_space<vmem>>)
      %add3A_291 = arith.constant 1 : i32
      %add3A_292 = arith.addi %mul3A_83, %add3A_291 : i32
      %mul3A_293 = arith.constant 4 : i32
      %mul3A_294 = arith.muli %add3A_292, %mul3A_293 : i32
      %add3A_295 = arith.addi %mul3A_2, %mul3A_294 : i32
      %dma_start3A_296 = arith.constant 0 : i32
      %dma_start3A_297 = arith.constant 0 : i32
      %dma_start3A_298 = arith.constant 0 : i32
      %dma_start3A_299 = tpu.memref_slice %arg7[%dma_start3A_296, %dma_start3A_297, %dma_start3A_298] : memref<4x56x128xf32, #tpu.memory_space<vmem>> -> memref<4x50x32xf32, #tpu.memory_space<vmem>>
      %dma_start3A_300 = arith.constant 0 : i32
      %dma_start3A_301 = arith.constant 0 : i32
      %dma_start3A_302 = tpu.memref_slice %arg4[%add3A_295, %dma_start3A_300, %dma_start3A_301] : memref<16384x50x32xf32, #tpu.memory_space<hbm>> -> memref<4x50x32xf32, #tpu.memory_space<hbm>>
      %dma_start3A_303 = arith.constant 0 : i32
      %dma_start3A_304 = arith.constant 0 : i32
      %dma_start3A_305 = tpu.memref_slice %arg4[%add3A_295, %dma_start3A_303, %dma_start3A_304] : memref<16384x50x32xf32, #tpu.memory_space<hbm>> -> memref<4x50x32xf32, #tpu.memory_space<hbm>>
      %dma_start3A_306 = arith.constant 0 : i32
      %dma_start3A_307 = arith.constant 0 : i32
      %dma_start3A_308 = arith.constant 0 : i32
      %dma_start3A_309 = tpu.memref_slice %arg7[%dma_start3A_306, %dma_start3A_307, %dma_start3A_308] : memref<4x56x128xf32, #tpu.memory_space<vmem>> -> memref<4x50x32xf32, #tpu.memory_space<vmem>>
      tpu.enqueue_dma source(%dma_start3A_309 : memref<4x50x32xf32, #tpu.memory_space<vmem>>) target(%dma_start3A_305 : memref<4x50x32xf32, #tpu.memory_space<hbm>>) target_semaphore(%arg11 : memref<!tpu.dma_semaphore, #tpu.memory_space<semaphore_mem>>)
    }
    %scan3A_53 = arith.constant 64 : i32
    %dma_wait3A = arith.constant 0 : i32
    %dma_wait3A_54 = arith.constant 0 : i32
    %dma_wait3A_55 = arith.constant 0 : i32
    %dma_wait3A_56 = tpu.memref_slice %arg7[%dma_wait3A, %dma_wait3A_54, %dma_wait3A_55] : memref<4x56x128xf32, #tpu.memory_space<vmem>> -> memref<4x50x32xf32, #tpu.memory_space<vmem>>
    %dma_wait3A_57 = arith.constant 0 : i32
    %dma_wait3A_58 = arith.constant 0 : i32
    %dma_wait3A_59 = tpu.memref_slice %arg4[%mul3A_2, %dma_wait3A_57, %dma_wait3A_58] : memref<16384x50x32xf32, #tpu.memory_space<hbm>> -> memref<4x50x32xf32, #tpu.memory_space<hbm>>
    %dma_wait3A_60 = arith.constant 0 : i32
    %dma_wait3A_61 = arith.constant 0 : i32
    %dma_wait3A_62 = tpu.memref_slice %arg4[%mul3A_2, %dma_wait3A_60, %dma_wait3A_61] : memref<16384x50x32xf32, #tpu.memory_space<hbm>> -> memref<4x50x32xf32, #tpu.memory_space<hbm>>
    %dma_wait3A_63 = arith.constant 0 : i32
    %dma_wait3A_64 = arith.constant 0 : i32
    %dma_wait3A_65 = arith.constant 0 : i32
    %dma_wait3A_66 = tpu.memref_slice %arg7[%dma_wait3A_63, %dma_wait3A_64, %dma_wait3A_65] : memref<4x56x128xf32, #tpu.memory_space<vmem>> -> memref<4x50x32xf32, #tpu.memory_space<vmem>>
    tpu.wait_dma2 semaphore(%arg11 : memref<!tpu.dma_semaphore, #tpu.memory_space<semaphore_mem>>) src(%dma_wait3A_66 : memref<4x50x32xf32, #tpu.memory_space<vmem>>) dst(%dma_wait3A_62 : memref<4x50x32xf32, #tpu.memory_space<hbm>>)
    %dma_wait3A_67 = arith.constant 0 : i32
    %dma_wait3A_68 = arith.constant 0 : i32
    %dma_wait3A_69 = arith.constant 0 : i32
    %dma_wait3A_70 = tpu.memref_slice %arg6[%dma_wait3A_67, %dma_wait3A_68, %dma_wait3A_69] : memref<4x56x128xf32, #tpu.memory_space<vmem>> -> memref<4x50x32xf32, #tpu.memory_space<vmem>>
    %dma_wait3A_71 = arith.constant 0 : i32
    %dma_wait3A_72 = arith.constant 0 : i32
    %dma_wait3A_73 = tpu.memref_slice %arg4[%mul3A_2, %dma_wait3A_71, %dma_wait3A_72] : memref<16384x50x32xf32, #tpu.memory_space<hbm>> -> memref<4x50x32xf32, #tpu.memory_space<hbm>>
    %dma_wait3A_74 = arith.constant 0 : i32
    %dma_wait3A_75 = arith.constant 0 : i32
    %dma_wait3A_76 = tpu.memref_slice %arg4[%mul3A_2, %dma_wait3A_74, %dma_wait3A_75] : memref<16384x50x32xf32, #tpu.memory_space<hbm>> -> memref<4x50x32xf32, #tpu.memory_space<hbm>>
    %dma_wait3A_77 = arith.constant 0 : i32
    %dma_wait3A_78 = arith.constant 0 : i32
    %dma_wait3A_79 = arith.constant 0 : i32
    %dma_wait3A_80 = tpu.memref_slice %arg6[%dma_wait3A_77, %dma_wait3A_78, %dma_wait3A_79] : memref<4x56x128xf32, #tpu.memory_space<vmem>> -> memref<4x50x32xf32, #tpu.memory_space<vmem>>
    tpu.wait_dma2 semaphore(%arg10 : memref<!tpu.dma_semaphore, #tpu.memory_space<semaphore_mem>>) src(%dma_wait3A_80 : memref<4x50x32xf32, #tpu.memory_space<vmem>>) dst(%dma_wait3A_76 : memref<4x50x32xf32, #tpu.memory_space<hbm>>)
    return
  }
}

</mosaic_0001>

<sc_bundles>
// kernel: _run.3.cloned.1.call-start
scs
__scs_entry_jumppad:
0x0: {  	(pc) =	sbr.rel $0x88, $3  }
0x1: {  	(tag) =	ssettag $0x0;
	lr =	simm.s32 $0x1  }
0x2: {  	[smem:$0x3F9F] =	sst lr;
	_ =	strace $0xD0000000  }
0x3: {  	_ = 	snop  }
0x4: {  	_ = 	snop  }
0x5: {  	_ = 	snop  }
0x6: {  	_ = 	snop  }
0x7: {  	_ = 	snop  }
__scs_overlays_trampoline_lowered:
0x8: {  	[smem:$0x3FAE] =	sst s0  }
0x9: {  	[smem:$0x3FAF] =	sst s1  }
0xa: {  	[smem:$0x3FB0] =	sst s2  }
0xb: {  	[smem:$0x3FB1] =	sst s3  }
0xc: {  	[smem:$0x3FB2] =	sst s4  }
0xd: {  	[smem:$0x3FB3] =	sst s5  }
0xe: {  	[smem:$0x3FB4] =	sst s6  }
0xf: {  	[smem:$0x3FB5] =	sst s7  }
0x10: {  	[smem:$0x3FB6] =	sst s8  }
0x11: {  	[smem:$0x3FB7] =	sst s9;
	s0 =	simm.s32 @!p0 $0x0  }
0x12: {  	s1 =	sld [smem:$0x3F9D];
	s0 =	simm.s32 @p0 $0x1  }
0x13: {  	[smem:$0x3FB8] =	sst s0;
	s0 =	simm.s32 @!p1 $0x0  }
0x14: {  	s2 =	sld [smem:$0x3F9C];
	s0 =	simm.s32 @p1 $0x1  }
0x15: {  	[smem:$0x3FB9] =	sst s0;
	s0 =	simm.s32 @!p2 $0x0  }
0x16: {  	s3 =	sld [smem:$0x3FDB];
	s0 =	simm.s32 @p2 $0x1  }
0x17: {  	s4 =	simm.s32 $0x1BF5;
	[smem:$0x3FBB] =	sst s0  }
0x18: {  	s0 =	sld [smem:$0x3F9E];
	_ =	swait.ge [sflag:s4], $0x0  }
0x19: {  	s7 =	sld [smem:$0x3F9F]  }
0x1a: {  	s8 =	sadd.s32 $0xFFFFE003, lr  }
0x1b: {  	s9 =	sadd.s32 $0xFFFFFEF7, lr;
	s5 =	simm.s32 $0xFFFFFFFF;
	p2 =	slt.u32 s8, $0xFFFFF086  }
0x1c: {  	p1 =	slt.u32 s9, $0xF7A;
	s5 =	simm.s32 @!p2 $0x0  }
0x1d: {  	s5 =	simm.s32 @p1 $0x1;
	p0 =	seq.s32 s7, s2  }
0x1e: {  	s7 =	smul.u32 @!p0 $0xF7A, s2;
	p2 =	seq.s32 @!p0 s5, $0x0  }
0x1f: {  	s9 =	smul.u32 $0xF7A, s1;
	s8 =	simm.s32 @!p0 $0x1BF5;
	p2 =	por !p2, p0  }
0x20: {  	[sflag:s8] =	ssyncset.s32 @!p0 $0xFFFFF086;
	s6 =	sadd.s32 @!p0 s3, s7;
	s7 =	simm.s32 @!p0 $0x108  }
0x21: {  	s3 =	sadd.s32 s3, s9;
	s6 =	sadd.s32 @!p0 $0x88, s6;
	s7 =	simm.s32 @p2 $0x1082  }
0x22: {  	[simem:s7], [sflag:s8] =	dma.local @!p0 [hbm:s6], $0xF7A  }
0x23: {  	s9 =	sor.u32 $0xD0000000, s2;
	s6 =	simm.s32 $0x108;
	_ =	swait.ge @!p0 [sflag:s8], $0x0  }
0x24: {  	s3 =	sadd.s32 $0x88, s3;
	s6 =	simm.s32 @!p1 $0x1082;
	[sflag:s4] =	ssyncset.s32 $0xFFFFF086  }
0x25: {  	[simem:s6], [sflag:s4] =	dma.local [hbm:s3], $0xF7A  }
0x26: {  	[smem:$0x3F9F] =	sst s1;
	(tag) =	ssettag s2;
	_ =	strace s9  }
0x27: {  	s1 =	sld [smem:$0x3FAF]  }
0x28: {  	s2 =	sld [smem:$0x3FB0]  }
0x29: {  	s4 =	sld [smem:$0x3FB2]  }
0x2a: {  	p0 =	seq.s32 s5, $0x0;
	s5 =	sld [smem:$0x3FB3]  }
0x2b: {  	s6 =	sld [smem:$0x3FB4]  }
0x2c: {  	s7 =	sld [smem:$0x3FB5]  }
0x2d: {  	s3 =	simm.s32 $0x108;
	s8 =	sld [smem:$0x3FB6]  }
0x2e: {  	s3 =	simm.s32 @!p0 $0x1082;
	s9 =	sld [smem:$0x3FB7]  }
0x2f: {  	lr =	sadd.s32 s0, s3;
	s0 =	sld [smem:$0x3FAE]  }
0x30: {  	s3 =	sld [smem:$0x3FB1]  }
0x31: {  	[smem:$0x3FBA] =	sst s10  }
0x32: {  	s10 =	sld [smem:$0x3FB8];
	_ =	sdelay $0x3  }
0x33: {  	p0 =	seq.s32 s10, $0x1;
	s10 =	sld [smem:$0x3FBA];
	_ =	sdelay $0x3  }
0x34: {  	[smem:$0x3FBA] =	sst s10  }
0x35: {  	s10 =	sld [smem:$0x3FB9];
	_ =	sdelay $0x3  }
0x36: {  	p1 =	seq.s32 s10, $0x1;
	s10 =	sld [smem:$0x3FBA];
	_ =	sdelay $0x3  }
0x37: {  	[smem:$0x3FBA] =	sst s10  }
0x38: {  	s10 =	sld [smem:$0x3FBB]  }
0x39: {  	_ = 	snop;
	(pc) =	sbr.ind lr, $3  }
0x3a: {  	_ = 	snop  }
0x3b: {  	_ = 	snop  }
0x3c: {  	p2 =	seq.s32 s10, $0x1;
	s10 =	sld [smem:$0x3FBA]  }
0x3d: {  	_ =	shalt  }
0x3e: {  	_ =	shalt  }
0x3f: {  	_ =	shalt  }
0x40: {  	_ =	shalt  }
0x41: {  	_ =	shalt  }
0x42: {  	_ =	shalt  }
0x43: {  	_ =	shalt  }
0x44: {  	_ =	shalt  }
0x45: {  	_ =	shalt  }
0x46: {  	_ =	shalt  }
0x47: {  	_ =	shalt  }
0x48: {  	_ =	shalt  }
0x49: {  	_ =	shalt  }
0x4a: {  	_ =	shalt  }
0x4b: {  	_ =	shalt  }
0x4c: {  	_ =	shalt  }
0x4d: {  	_ =	shalt  }
0x4e: {  	_ =	shalt  }
0x4f: {  	_ =	shalt  }
0x50: {  	_ =	shalt  }
0x51: {  	_ =	shalt  }
0x52: {  	_ =	shalt  }
0x53: {  	_ =	shalt  }
0x54: {  	_ =	shalt  }
0x55: {  	_ =	shalt  }
0x56: {  	_ =	shalt  }
0x57: {  	_ =	shalt  }
0x58: {  	_ =	shalt  }
0x59: {  	_ =	shalt  }
0x5a: {  	_ =	shalt  }
0x5b: {  	_ =	shalt  }
0x5c: {  	_ =	shalt  }
0x5d: {  	_ =	shalt  }
0x5e: {  	_ =	shalt  }
0x5f: {  	_ =	shalt  }
0x60: {  	_ =	shalt  }
0x61: {  	_ =	shalt  }
0x62: {  	_ =	shalt  }
0x63: {  	_ =	shalt  }
0x64: {  	_ =	shalt  }
0x65: {  	_ =	shalt  }
0x66: {  	_ =	shalt  }
0x67: {  	_ =	shalt  }
0x68: {  	_ =	shalt  }
0x69: {  	_ =	shalt  }
0x6a: {  	_ =	shalt  }
0x6b: {  	_ =	shalt  }
0x6c: {  	_ =	shalt  }
0x6d: {  	_ =	shalt  }
0x6e: {  	_ =	shalt  }
0x6f: {  	_ =	shalt  }
0x70: {  	_ =	shalt  }
0x71: {  	_ =	shalt  }
0x72: {  	_ =	shalt  }
0x73: {  	_ =	shalt  }
0x74: {  	_ =	shalt  }
0x75: {  	_ =	shalt  }
0x76: {  	_ =	shalt  }
0x77: {  	_ =	shalt  }
0x78: {  	_ =	shalt  }
0x79: {  	_ =	shalt  }
0x7a: {  	_ =	shalt  }
0x7b: {  	_ =	shalt  }
0x7c: {  	_ =	shalt  }
0x7d: {  	_ =	shalt  }
0x7e: {  	_ =	shalt  }
0x7f: {  	_ =	shalt  }
0x80: {  	_ =	shalt  }
0x81: {  	_ =	shalt  }
0x82: {  	_ =	shalt  }
0x83: {  	_ =	shalt  }
0x84: {  	_ =	shalt  }
0x85: {  	_ =	shalt  }
0x86: {  	_ =	shalt  }
0x87: {  	_ =	shalt  }
.Lfunc_end0:
.L_simem_size_0:
called_computation.1_lowered:
.L_overlay_start_0:
0x88: {  	s2 =	sld [smem:$0x3FD9]  }
0x89: {  	s3 =	sld [smem:$0x3FFE];
	_ =	sdelay $0x1  }
0x8a: {  	s1 =	srdreg.scid  }
0x8b: {  	s0 =	sand.u32 $0x1, s1  }
0x8c: {  	s17 =	sshll.u32 s0, $0xA;
	s2 =	sadd.s32 s3, s2  }
0x8d: {  	s2 =	sadd.s32 s2, s17  }
0x8e: {  	[smem:$0x3FC6] =	sst s2  }
0x8f: {  	_ = 	snop  }
0x90: {  	s2 =	sld [smem:$0x3FD0];
	(tm) =	ssettm $0x1  }
0x91: {  	s18 =	sld [smem:$0x3FFB];
	_ =	sdelay $0x3  }
0x92: {  	_ =	strace s18  }
0x93: {  	s3 =	sld [smem:$0x3FFC];
	_ =	sdelay $0x3  }
0x94: {  	_ =	strace s3  }
0x95: {  	s3 =	sld [smem:$0x3FFD];
	_ =	sdelay $0x3  }
0x96: {  	_ =	strace s3  }
0x97: {  	_ =	strace $0x8FFFFFFF  }
0x98: {  	s19 =	sld [smem:$0x3FDB];
	_ =	sdelay $0x1  }
0x99: {  	s4 =	simm.s32 $_scs_section_size  }
0x9a: {  	s5 =	simm.s32 $_size__tile_overlayer_lowered;
	s6 =	simm.s32 $_tile_overlayer_lowered  }
0x9b: {  	s22 =	simm.s32 $0x1BFF;
	s21 =	sshll.u32 s6, $0x1;
	s3 =	sadd.s32 s4, s19  }
0x9c: {  	s7 =	simm.s32 $0x0;
	s20 =	sshll.u32 s5, $0x1;
	s5 =	sadd.s32 s21, s3  }
0x9d: {  	[timem:s7], [sflag:s22] =	dma.local [hbm:s5], s20  }
0x9e: {  	_ =	swait.ge [sflag:s22], s20  }
0x9f: {  	s4 =	ssub.s32 $0x0, s20;
	[sflag:s22] =	ssyncset.done $0x0  }
0xa0: {  	[sflag:s22] =	ssyncadd.s32 s4;
	_ =	sdelay $0x1  }
0xa1: {  	s23 =	simm.s32 $0x1B8B  }
0xa2: {  	_ =	swait.ge [sflag:s23], $0x1  }
0xa3: {  	[sflag:s23] =	ssyncset.done $0x0  }
0xa4: {  	s25 =	simm.s32 $0x1B8E;
	s24 =	sld [smem:$0x3FFE];
	[sflag:s23] =	ssyncadd.s32 $0xFFFFFFFF  }
0xa5: {  	s26 =	simm.s32 $execute0_lowered;
	[smem:$0x3FD2] =	sst s25  }
0xa6: {  	s5 =	sshll.u32 s26, $0x1;
	_ =	strace $0x80000046;
	[dreg:$0x1] =	wrdreg $0xFFFFFFFF  }
0xa7: {  	s28 =	simm.s32 $_size_execute0_lowered;
	s3 =	sadd.s32 s3, s5;
	[dreg:$0x0] =	wrdreg $0x0  }
0xa8: {  	s5 =	sshll.u32 s28, $0x1;
	[dreg:$0x2] =	wrdreg s3  }
0xa9: {  	[dreg:$0x3] =	wrdreg s5  }
0xaa: {  	[dreg:$0x4] =	wrdreg $0xC0  }
0xab: {  	_ =	task [dreg:s7], $0x5FFFF  }
0xac: {  	[dreg:$0x1] =	wrdreg $0xFFFFFFFF  }
0xad: {  	[dreg:$0x0] =	wrdreg $0x60  }
0xae: {  	[dreg:$0x2] =	wrdreg s24  }
0xaf: {  	[dreg:$0x3] =	wrdreg s2  }
0xb0: {  	[dreg:$0x4] =	wrdreg $0x9  }
0xb1: {  	_ =	task.clear_ibuf [dreg:s7], $0x5FFFF;
	_ =	strace $0x90000046  }
0xb2: {  	s29 =	simm.s32 $0x9;
	_ =	strace $0x80000048  }
0xb3: {  	_ =	swait.ge [sflag:s29], $0x1  }
0xb4: {  	[sflag:s29] =	ssyncadd.s32 $0xFFFFFFFF  }
0xb5: {  	_ =	strace $0x90000048  }
0xb6: {  	_ =	sfence  }
0xb7: {  	s30 =	sld [smem:$0x0];
	_ =	sdelay $0x2  }
0xb8: {  	s31 =	sshll.u32 s1, $0xD;
	s1 =	sshrl.u32 s1, $0x2  }
0xb9: {  	s3 =	sand.u32 $0x4000, s31;
	s1 =	sadd.s32 s1, s30  }
0xba: {  	s0 =	sor.u32 s3, s0;
	s1 =	sshll.u32 s1, $0x11  }
0xbb: {  	s0 =	sor.u32 s1, s0  }
0xbc: {  	s0 =	sadd.s32 $0x8F2B, s0  }
0xbd: {  	[sflag:s0] =	ssyncadd.remote.s32 $0x1  }
0xbe: {  	_ =	sfence.sel $0xFFFF  }
0xbf: {  	[dreg:$0x0] =	wrdreg $0xFFFFFFFF;
	(pc) =	sbr.abs _section_cstart, $3  }
0xc0: {  	[dreg:$0x1] =	wrdreg $0xFFFFFFFF  }
0xc1: {  	_ =	task.clear_ibuf [dreg:s7], $0x2FFFF;
	_ =	strace $0x9FFFFFFF  }
0xc2: {  	(tm) =	ssettm $0x7FFFFFFF  }
0xc3: {  	_ =	shalt  }
tec
execute0_lowered:
.L_overlay_start_1:
0x0: {  	(tag) =	ssettag $0x1  }
0x1: {  	s0 =	rddreg [dreg:$0x0];
	s1 =	srdreg.scid  }
0x2: {  	s2 =	rddreg [dreg:$0x1];
	s3 =	stileid.u32;
	s8 =	simm.s32 $0x5  }
0x3: {  	s9 =	simm.s32 $0x38;
	s12 =	simm.s32 $0x11C00;
	s13 =	simm.s32 $0x100  }
0x4: {  	s14 =	simm.s32 $0x13800;
	s15 =	simm.s32 $0x180;
	s16 =	simm.s32 $0x15400  }
0x5: {  	s17 =	simm.s32 $0x17000;
	s18 =	simm.s32 $0x18C00;
	s19 =	simm.s32 $0x1A800  }
0x6: {  	s20 =	simm.s32 $0x1C400;
	s21 =	simm.s32 $0x1;
	s22 =	simm.s32 $0x2  }
0x7: {  	s23 =	simm.s32 $0x4;
	s24 =	simm.s32 $0x3;
	s1 =	sand.u32 $0x1, s1  }
0x8: {  	s25 =	simm.s32 $0x0;
	s4 =	sshll.u32 s3, $0xA;
	s5 =	sshll.u32 s1, $0x9  }
0x9: {  	s3 =	simm.s32 $0x0;
	s1 =	ssub.s32 $0x2, s1;
	s4 =	sor.u32 s5, s4  }
0xa: {  	[smem:$0x7FF] =	sst s3;
	s6 =	sshrl.u32 s1, $0x1;
	s5 =	sshll.u32 s4, $0x4  }
0xb: {  	_ =	strace $0x80000047;
	s1 =	ssub.s32 s1, s6;
	s7 =	sadd.s32 s5, s0  }
0xc: {  	s5 =	sadd.s32 $0xF44200, s0;
	s6 =	sadd.s32 $0x1200, s7;
	s7 =	smax.u32 s1, $0x1  }
.LBB2_1:
0xd: {  	[tilespmem:s3], [sflag:$0x5] =	stream.linear.gather [hbm4b:s6+s3], $0x10000, $0x38;
	[tilespmem:$0x1E000] =	vst v63  }
0xe: {  	_ =	swait.ge [sflag:s8], $0x10000  }
0xf: {  	[sflag:s8] =	ssyncset.done $0x0  }
0x10: {  	s0 =	simm.s32 $0x10000;
	[sflag:s8] =	ssyncadd.s32 $0xFFFF0000  }
0x11: {  	[tilespmem:s0], [sflag:$0x1] =	stream.indirect.gather [hbm4b:s5+s9], $0x80, s3, s9, $0xb8;
	[tilespmem:$0x1E000] =	vst v63  }
0x12: {  	s31 =	simm.s32 $0x80  }
0x13: {  	[tilespmem:s12], [sflag:$0x1] =	stream.indirect.gather [hbm4b:s5+s9], $0x80, s31, s9, $0xb8;
	[tilespmem:$0x1E000] =	vst v63  }
0x14: {  	_ = 	snop  }
0x15: {  	[tilespmem:s14], [sflag:$0x1] =	stream.indirect.gather [hbm4b:s5+s9], $0x80, s13, s9, $0xb8;
	[tilespmem:$0x1E000] =	vst v63  }
0x16: {  	s26 =	simm.s32 $0x0  }
0x17: {  	[tilespmem:s16], [sflag:$0x1] =	stream.indirect.gather [hbm4b:s5+s9], $0x80, s15, s9, $0xb8;
	[tilespmem:$0x1E000] =	vst v63  }
.LBB2_2:
0x18: {  	p0 =	seq.s32 s26, $0x0  }
0x19: {  	s1 =	sshll.u32 s26, $0x3;
	s0 =	simm.s32 @!p0 $0x4  }
0x1a: {  	s28 =	sor.u32 $0x4, s1;
	_ =	swait.ge @!p0 [sflag:s0], $0x1900  }
0x1b: {  	s11 =	sshll.u32 s26, $0xC;
	s10 =	sshll.u32 s28, $0x7;
	[sflag:s0] =	ssyncset.done @!p0 $0x0  }
0x1c: {  	s29 =	sshrl.u32 s11, $0x2;
	s10 =	sand.u32 $0x3FFFFE00, s10;
	[sflag:s0] =	ssyncadd.s32 @!p0 $0xFFFFE700  }
0x1d: {  	[tilespmem:s17], [sflag:$0x2] =	stream.indirect.gather [hbm4b:s5+s9], $0x80, s10, s9, $0xb8;
	[tilespmem:$0x1E000] =	vst v63  }
0x1e: {  	s10 =	sadd.s32 $0x280, s29  }
0x1f: {  	[tilespmem:s18], [sflag:$0x2] =	stream.indirect.gather [hbm4b:s5+s9], $0x80, s10, s9, $0xb8;
	[tilespmem:$0x1E000] =	vst v63  }
0x20: {  	s11 =	sadd.s32 $0x300, s29  }
0x21: {  	[tilespmem:s19], [sflag:$0x2] =	stream.indirect.gather [hbm4b:s5+s9], $0x80, s11, s9, $0xb8;
	[tilespmem:$0x1E000] =	vst v63  }
0x22: {  	s10 =	sadd.s32 $0x380, s29  }
0x23: {  	[tilespmem:s20], [sflag:$0x2] =	stream.indirect.gather [hbm4b:s5+s9], $0x80, s10, s9, $0xb8;
	[tilespmem:$0x1E000] =	vst v63  }
0x24: {  	_ =	swait.ge [sflag:s21], $0x1C00  }
0x25: {  	[sflag:s21] =	ssyncset.done $0x0  }
0x26: {  	[sflag:s21] =	ssyncadd.s32 $0xFFFFE400  }
0x27: {  	_ =	swait.ge [sflag:s21], $0x1C00  }
0x28: {  	[sflag:s21] =	ssyncset.done $0x0  }
0x29: {  	[sflag:s21] =	ssyncadd.s32 $0xFFFFE400  }
0x2a: {  	_ =	swait.ge [sflag:s21], $0x1C00  }
0x2b: {  	s11 =	sadd.s32 s4, s1;
	[sflag:s21] =	ssyncset.done $0x0  }
0x2c: {  	s0 =	smul.u32 $0xC8, s11;
	[sflag:s21] =	ssyncadd.s32 $0xFFFFE400  }
0x2d: {  	s31 =	simm.s32 $0x10000;
	_ =	swait.ge [sflag:s21], $0x1C00  }
0x2e: {  	s1 =	simm.s32 $0x10080;
	s30 =	sadd.s32 s2, s0;
	[sflag:s21] =	ssyncset.done $0x0  }
0x2f: {  	s0 =	simm.s32 $0x4;
	s10 =	sadd.s32 $0x0, s30;
	[sflag:s21] =	ssyncadd.s32 $0xFFFFE400  }
.LBB2_3:
0x30: {  	[hbm4b:s10+s3] =	stream.linear.scatter [tilespmem:s31], [sflag:$0x3], $0x20, $0x38;
	[tilespmem:$0x1E000] =	vst v63  }
0x31: {  	s10 =	smov.u32 s0;
	s31 =	smov.u32 s1;
	p0 =	sne.s32 s0, $0xC4  }
.Ltmp0:
0x32: {  	s0 =	sadd.s32 $0x4, s0;
	(pc) =	sbr.rel @p0 .LBB2_3-.Ltmp0, $2  }
0x33: {  	_ =	sdelay $0x2  }
0x34: {  	s1 =	sadd.s32 $0x80, s1;
	s10 =	sadd.s32 s10, s30  }
0x35: {  	[hbm4b:s10+s3] =	stream.linear.scatter [tilespmem:s31], [sflag:$0x3], $0x20, $0x38;
	[tilespmem:$0x1E000] =	vst v63  }
0x36: {  	s31 =	sadd.s32 $0xC8, s30;
	s0 =	simm.s32 $0x11C00  }
0x37: {  	s1 =	simm.s32 $0x4;
	s10 =	simm.s32 $0x11C80;
	s11 =	sadd.s32 $0x0, s31  }
.LBB2_5:
0x38: {  	[hbm4b:s11+s3] =	stream.linear.scatter [tilespmem:s0], [sflag:$0x3], $0x20, $0x38;
	[tilespmem:$0x1E000] =	vst v63  }
0x39: {  	s11 =	smov.u32 s1;
	s0 =	smov.u32 s10;
	p0 =	sne.s32 s1, $0xC4  }
.Ltmp1:
0x3a: {  	s1 =	sadd.s32 $0x4, s1;
	(pc) =	sbr.rel @p0 .LBB2_5-.Ltmp1, $2  }
0x3b: {  	_ =	sdelay $0x2  }
0x3c: {  	s10 =	sadd.s32 $0x80, s10;
	s11 =	sadd.s32 s11, s31  }
0x3d: {  	[hbm4b:s11+s3] =	stream.linear.scatter [tilespmem:s0], [sflag:$0x3], $0x20, $0x38;
	[tilespmem:$0x1E000] =	vst v63  }
0x3e: {  	s31 =	sadd.s32 $0x190, s30;
	s0 =	simm.s32 $0x13800  }
0x3f: {  	s1 =	simm.s32 $0x4;
	s10 =	simm.s32 $0x13880;
	s11 =	sadd.s32 $0x0, s31  }
.LBB2_7:
0x40: {  	[hbm4b:s11+s3] =	stream.linear.scatter [tilespmem:s0], [sflag:$0x3], $0x20, $0x38;
	[tilespmem:$0x1E000] =	vst v63  }
0x41: {  	s11 =	smov.u32 s1;
	s0 =	smov.u32 s10;
	p0 =	sne.s32 s1, $0xC4  }
.Ltmp2:
0x42: {  	s1 =	sadd.s32 $0x4, s1;
	(pc) =	sbr.rel @p0 .LBB2_7-.Ltmp2, $2  }
0x43: {  	_ =	sdelay $0x2  }
0x44: {  	s10 =	sadd.s32 $0x80, s10;
	s11 =	sadd.s32 s11, s31  }
0x45: {  	[hbm4b:s11+s3] =	stream.linear.scatter [tilespmem:s0], [sflag:$0x3], $0x20, $0x38;
	[tilespmem:$0x1E000] =	vst v63  }
0x46: {  	s30 =	sadd.s32 $0x258, s30;
	s0 =	simm.s32 $0x15400  }
0x47: {  	s1 =	simm.s32 $0x4;
	s10 =	simm.s32 $0x15480;
	s11 =	sadd.s32 $0x0, s30  }
.LBB2_9:
0x48: {  	[hbm4b:s11+s3] =	stream.linear.scatter [tilespmem:s0], [sflag:$0x3], $0x20, $0x38;
	[tilespmem:$0x1E000] =	vst v63  }
0x49: {  	s11 =	smov.u32 s1;
	s0 =	smov.u32 s10;
	p0 =	sne.s32 s1, $0xC4  }
.Ltmp3:
0x4a: {  	s1 =	sadd.s32 $0x4, s1;
	(pc) =	sbr.rel @p0 .LBB2_9-.Ltmp3, $2  }
0x4b: {  	_ =	sdelay $0x2  }
0x4c: {  	s10 =	sadd.s32 $0x80, s10;
	s11 =	sadd.s32 s11, s30  }
0x4d: {  	[hbm4b:s11+s3] =	stream.linear.scatter [tilespmem:s0], [sflag:$0x3], $0x20, $0x38;
	[tilespmem:$0x1E000] =	vst v63  }
0x4e: {  	p0 =	seq.s32 s26, $0x3F  }
0x4f: {  	s0 =	simm.s32 @!p0 $0x3  }
0x50: {  	_ =	swait.ge @!p0 [sflag:s0], $0x1900  }
0x51: {  	s1 =	simm.s32 @!p0 $0x38;
	[sflag:s0] =	ssyncset.done @!p0 $0x0  }
0x52: {  	s10 =	simm.s32 @!p0 $0x10000;
	[sflag:s0] =	ssyncadd.s32 @!p0 $0xFFFFE700;
	s0 =	sadd.s32 @!p0 $0x400, s29  }
0x53: {  	[tilespmem:s10], [sflag:$0x1] =	stream.indirect.gather @!p0 [hbm4b:s5+s1], $0x80, s0, s1, $0xb8;
	[tilespmem:$0x1E000] =	vst v63  }
0x54: {  	s0 =	sadd.s32 @!p0 $0x480, s29;
	s10 =	simm.s32 @!p0 $0x11C00  }
0x55: {  	[tilespmem:s10], [sflag:$0x1] =	stream.indirect.gather @!p0 [hbm4b:s5+s1], $0x80, s0, s1, $0xb8;
	[tilespmem:$0x1E000] =	vst v63  }
0x56: {  	s0 =	sadd.s32 @!p0 $0x500, s29;
	s10 =	simm.s32 @!p0 $0x13800  }
0x57: {  	[tilespmem:s10], [sflag:$0x1] =	stream.indirect.gather @!p0 [hbm4b:s5+s1], $0x80, s0, s1, $0xb8;
	[tilespmem:$0x1E000] =	vst v63  }
0x58: {  	s0 =	sadd.s32 @!p0 $0x580, s29;
	s10 =	simm.s32 @!p0 $0x15400  }
0x59: {  	[tilespmem:s10], [sflag:$0x1] =	stream.indirect.gather @!p0 [hbm4b:s5+s1], $0x80, s0, s1, $0xb8;
	[tilespmem:$0x1E000] =	vst v63  }
0x5a: {  	_ =	swait.ge [sflag:s22], $0x1C00  }
0x5b: {  	[sflag:s22] =	ssyncset.done $0x0  }
0x5c: {  	[sflag:s22] =	ssyncadd.s32 $0xFFFFE400  }
0x5d: {  	_ =	swait.ge [sflag:s22], $0x1C00  }
0x5e: {  	[sflag:s22] =	ssyncset.done $0x0  }
0x5f: {  	[sflag:s22] =	ssyncadd.s32 $0xFFFFE400  }
0x60: {  	_ =	swait.ge [sflag:s22], $0x1C00  }
0x61: {  	s31 =	sadd.s32 s4, s28;
	[sflag:s22] =	ssyncset.done $0x0  }
0x62: {  	s0 =	smul.u32 $0xC8, s31;
	[sflag:s22] =	ssyncadd.s32 $0xFFFFE400  }
0x63: {  	s1 =	simm.s32 $0x4;
	_ =	swait.ge [sflag:s22], $0x1C00  }
0x64: {  	s10 =	simm.s32 $0x17080;
	s28 =	sadd.s32 s2, s0;
	[sflag:s22] =	ssyncset.done $0x0  }
0x65: {  	s0 =	simm.s32 $0x17000;
	s11 =	sadd.s32 $0x0, s28;
	[sflag:s22] =	ssyncadd.s32 $0xFFFFE400  }
.LBB2_11:
0x66: {  	[hbm4b:s11+s3] =	stream.linear.scatter [tilespmem:s0], [sflag:$0x4], $0x20, $0x38;
	[tilespmem:$0x1E000] =	vst v63  }
0x67: {  	s11 =	smov.u32 s1;
	s0 =	smov.u32 s10;
	p0 =	sne.s32 s1, $0xC4  }
.Ltmp4:
0x68: {  	s1 =	sadd.s32 $0x4, s1;
	(pc) =	sbr.rel @p0 .LBB2_11-.Ltmp4, $2  }
0x69: {  	_ =	sdelay $0x2  }
0x6a: {  	s10 =	sadd.s32 $0x80, s10;
	s11 =	sadd.s32 s11, s28  }
0x6b: {  	[hbm4b:s11+s3] =	stream.linear.scatter [tilespmem:s0], [sflag:$0x4], $0x20, $0x38;
	[tilespmem:$0x1E000] =	vst v63  }
0x6c: {  	s29 =	sadd.s32 $0xC8, s28;
	s0 =	simm.s32 $0x18C00  }
0x6d: {  	s1 =	simm.s32 $0x4;
	s10 =	simm.s32 $0x18C80;
	s11 =	sadd.s32 $0x0, s29  }
.LBB2_13:
0x6e: {  	[hbm4b:s11+s3] =	stream.linear.scatter [tilespmem:s0], [sflag:$0x4], $0x20, $0x38;
	[tilespmem:$0x1E000] =	vst v63  }
0x6f: {  	s11 =	smov.u32 s1;
	s0 =	smov.u32 s10;
	p0 =	sne.s32 s1, $0xC4  }
.Ltmp5:
0x70: {  	s1 =	sadd.s32 $0x4, s1;
	(pc) =	sbr.rel @p0 .LBB2_13-.Ltmp5, $2  }
0x71: {  	_ =	sdelay $0x2  }
0x72: {  	s10 =	sadd.s32 $0x80, s10;
	s11 =	sadd.s32 s11, s29  }
0x73: {  	[hbm4b:s11+s3] =	stream.linear.scatter [tilespmem:s0], [sflag:$0x4], $0x20, $0x38;
	[tilespmem:$0x1E000] =	vst v63  }
0x74: {  	s29 =	sadd.s32 $0x190, s28;
	s0 =	simm.s32 $0x1A800  }
0x75: {  	s1 =	simm.s32 $0x4;
	s10 =	simm.s32 $0x1A880;
	s11 =	sadd.s32 $0x0, s29  }
.LBB2_15:
0x76: {  	[hbm4b:s11+s3] =	stream.linear.scatter [tilespmem:s0], [sflag:$0x4], $0x20, $0x38;
	[tilespmem:$0x1E000] =	vst v63  }
0x77: {  	s11 =	smov.u32 s1;
	s0 =	smov.u32 s10;
	p0 =	sne.s32 s1, $0xC4  }
.Ltmp6:
0x78: {  	s1 =	sadd.s32 $0x4, s1;
	(pc) =	sbr.rel @p0 .LBB2_15-.Ltmp6, $2  }
0x79: {  	_ =	sdelay $0x2  }
0x7a: {  	s10 =	sadd.s32 $0x80, s10;
	s11 =	sadd.s32 s11, s29  }
0x7b: {  	[hbm4b:s11+s3] =	stream.linear.scatter [tilespmem:s0], [sflag:$0x4], $0x20, $0x38;
	[tilespmem:$0x1E000] =	vst v63  }
0x7c: {  	s28 =	sadd.s32 $0x258, s28;
	s0 =	simm.s32 $0x1C400  }
0x7d: {  	s1 =	simm.s32 $0x4;
	s10 =	simm.s32 $0x1C480;
	s11 =	sadd.s32 $0x0, s28  }
.LBB2_17:
0x7e: {  	[hbm4b:s11+s3] =	stream.linear.scatter [tilespmem:s0], [sflag:$0x4], $0x20, $0x38;
	[tilespmem:$0x1E000] =	vst v63  }
0x7f: {  	s11 =	smov.u32 s1;
	s0 =	smov.u32 s10;
	p0 =	sne.s32 s1, $0xC4  }
.Ltmp7:
0x80: {  	s1 =	sadd.s32 $0x4, s1;
	(pc) =	sbr.rel @p0 .LBB2_17-.Ltmp7, $2  }
0x81: {  	_ =	sdelay $0x2  }
0x82: {  	s10 =	sadd.s32 $0x80, s10;
	s11 =	sadd.s32 s11, s28  }
0x83: {  	s26 =	sadd.s32 $0x1, s26  }
0x84: {  	p0 =	sne.s32 s26, $0x40  }
.Ltmp8:
0x85: {  	_ = 	snop;
	(pc) =	sbr.rel @p0 .LBB2_2-.Ltmp8, $2  }
0x86: {  	_ =	sdelay $0x2  }
0x87: {  	[hbm4b:s11+s3] =	stream.linear.scatter [tilespmem:s0], [sflag:$0x4], $0x20, $0x38;
	[tilespmem:$0x1E000] =	vst v63  }
0x88: {  	s25 =	sadd.s32 $0x1, s25  }
0x89: {  	_ =	swait.ge [sflag:s23], $0x1900;
	p0 =	sne.s32 s25, s7  }
.Ltmp9:
0x8a: {  	[sflag:s23] =	ssyncset.done $0x0;
	(pc) =	sbr.rel @p0 .LBB2_1-.Ltmp9, $4  }
0x8b: {  	[sflag:s23] =	ssyncadd.s32 $0xFFFFE700  }
0x8c: {  	_ =	swait.ge [sflag:s24], $0x1900  }
0x8d: {  	[sflag:s24] =	ssyncset.done $0x0  }
0x8e: {  	[sflag:s24] =	ssyncadd.s32 $0xFFFFE700  }
0x8f: {  	_ =	sfence.sel $0x180000  }
0x90: {  	[bflag:$0x0] =	sbarrier.arrive $0xFFFF  }
0x91: {  	_ =	strace $0x90000047  }
0x92: {  	s0 =	stileid.u32;
	[bflag:$0x2] =	sbarrier.arrive $0xFFFF  }
0x93: {  	p0 =	sne.s32 s0, $0x0;
	s0 =	rddreg [dreg:$0x2]  }
0x94: {  	s0 =	sadd.s32 @!p0 $0x100000, s0  }
0x95: {  	[sflag:s0] =	ssyncadd.tile.s32 @!p0 $0x1;
	_ =	shalt  }
.Lfunc_end2:
_tile_overlayer_lowered:
.L_overlay_start_2:
0x96: {  	(tag) =	ssettag $0x2  }
0x97: {  	s0 =	rddreg [dreg:$0x0];
	s2 =	stileid.u32  }
0x98: {  	s1 =	rddreg [dreg:$0x1];
	p0 =	sne.s32 s2, $0x0  }
0x99: {  	s3 =	rddreg [dreg:$0x2];
	[bflag:$0x3] =	sbarrier.arrive $0xFFFF;
	s2 =	simm.s32 @!p0 $0x1C05  }
0x9a: {  	[timem:s3], [sflag:s2] =	dma.local @!p0 [hbm:s0], s1  }
0x9b: {  	s0 =	simm.s32 @!p0 $0x5  }
0x9c: {  	_ =	swait.ge @!p0 [sflag:s0], s1  }
0x9d: {  	s1 =	ssub.s32 @!p0 $0x0, s1;
	[sflag:s0] =	ssyncset.done @!p0 $0x0  }
0x9e: {  	[sflag:s0] =	ssyncadd.s32 @!p0 s1  }
0x9f: {  	[bflag:$0x3] =	sbarrier.arrive $0xFFFF  }
0xa0: {  	_ =	shalt  }

// kernel: sparse-core-data-format-call.cloned.1.call-start
scs
called_computation_lowered:
.L_overlay_start_0:
0x0: {  	s2 =	sld [smem:$0x3FD9]  }
0x1: {  	s3 =	sld [smem:$0x3FFE];
	_ =	sdelay $0x1  }
0x2: {  	s1 =	srdreg.scid  }
0x3: {  	s0 =	sand.u32 $0x1, s1  }
0x4: {  	s18 =	sshll.u32 s0, $0xA;
	s2 =	sadd.s32 s3, s2  }
0x5: {  	s2 =	sadd.s32 s2, s18  }
0x6: {  	[smem:$0x3FC6] =	sst s2  }
0x7: {  	_ = 	snop  }
0x8: {  	s2 =	sld [smem:$0x3FD0];
	(tm) =	ssettm $0x1  }
0x9: {  	s19 =	sld [smem:$0x3FFB];
	_ =	sdelay $0x3  }
0xa: {  	_ =	strace s19  }
0xb: {  	s3 =	sld [smem:$0x3FFC];
	_ =	sdelay $0x3  }
0xc: {  	_ =	strace s3  }
0xd: {  	s3 =	sld [smem:$0x3FFD];
	_ =	sdelay $0x3  }
0xe: {  	_ =	strace s3  }
0xf: {  	_ =	strace $0x8FFFFFFF  }
0x10: {  	s20 =	sld [smem:$0x3FDB];
	_ =	sdelay $0x1  }
0x11: {  	s4 =	simm.s32 $_scs_section_size  }
0x12: {  	s5 =	simm.s32 $_size__tile_overlayer_lowered;
	s6 =	simm.s32 $_tile_overlayer_lowered  }
0x13: {  	s23 =	simm.s32 $0x1BFF;
	s22 =	sshll.u32 s6, $0x1;
	s3 =	sadd.s32 s4, s20  }
0x14: {  	s7 =	simm.s32 $0x0;
	s21 =	sshll.u32 s5, $0x1;
	s5 =	sadd.s32 s22, s3  }
0x15: {  	[timem:s7], [sflag:s23] =	dma.local [hbm:s5], s21  }
0x16: {  	_ =	swait.ge [sflag:s23], s21  }
0x17: {  	s4 =	ssub.s32 $0x0, s21;
	[sflag:s23] =	ssyncset.done $0x0  }
0x18: {  	[sflag:s23] =	ssyncadd.s32 s4;
	_ =	sdelay $0x1  }
0x19: {  	s24 =	simm.s32 $0x1B8B  }
0x1a: {  	_ =	swait.ge [sflag:s24], $0x1  }
0x1b: {  	[sflag:s24] =	ssyncset.done $0x0  }
0x1c: {  	s26 =	simm.s32 $0x1B8E;
	s25 =	sld [smem:$0x3FFE];
	[sflag:s24] =	ssyncadd.s32 $0xFFFFFFFF  }
0x1d: {  	s27 =	simm.s32 $execute0_lowered;
	[smem:$0x3FD2] =	sst s26  }
0x1e: {  	s5 =	sshll.u32 s27, $0x1;
	_ =	strace $0x80000049;
	[dreg:$0x1] =	wrdreg $0xFFFFFFFF  }
0x1f: {  	s28 =	simm.s32 $_size_execute0_lowered;
	s3 =	sadd.s32 s3, s5;
	[dreg:$0x0] =	wrdreg $0x0  }
0x20: {  	s5 =	sshll.u32 s28, $0x1;
	[dreg:$0x2] =	wrdreg s3  }
0x21: {  	[dreg:$0x3] =	wrdreg s5  }
0x22: {  	[dreg:$0x4] =	wrdreg $0xC0  }
0x23: {  	_ =	task [dreg:s7], $0x5FFFF  }
0x24: {  	[dreg:$0x1] =	wrdreg $0xFFFFFFFF  }
0x25: {  	[dreg:$0x0] =	wrdreg $0x60  }
0x26: {  	[dreg:$0x2] =	wrdreg s25  }
0x27: {  	[dreg:$0x3] =	wrdreg s2  }
0x28: {  	[dreg:$0x4] =	wrdreg $0x9  }
0x29: {  	_ =	task.clear_ibuf [dreg:s7], $0x5FFFF;
	_ =	strace $0x90000049  }
0x2a: {  	s29 =	simm.s32 $0x9;
	_ =	strace $0x8000004B  }
0x2b: {  	_ =	swait.ge [sflag:s29], $0x1  }
0x2c: {  	[sflag:s29] =	ssyncadd.s32 $0xFFFFFFFF  }
0x2d: {  	_ =	strace $0x9000004B  }
0x2e: {  	_ =	sfence  }
0x2f: {  	s30 =	sld [smem:$0x0];
	_ =	sdelay $0x2  }
0x30: {  	s31 =	sshll.u32 s1, $0xD;
	s1 =	sshrl.u32 s1, $0x2  }
0x31: {  	s3 =	sand.u32 $0x4000, s31;
	s1 =	sadd.s32 s1, s30  }
0x32: {  	s0 =	sor.u32 s3, s0;
	s1 =	sshll.u32 s1, $0x11  }
0x33: {  	s0 =	sor.u32 s1, s0  }
0x34: {  	s0 =	sadd.s32 $0x8F2B, s0  }
0x35: {  	[sflag:s0] =	ssyncadd.remote.s32 $0x1  }
0x36: {  	_ =	sfence.sel $0xFFFF  }
0x37: {  	[dreg:$0x0] =	wrdreg $0xFFFFFFFF;
	(pc) =	sbr.abs _section_cstart, $3  }
0x38: {  	[dreg:$0x1] =	wrdreg $0xFFFFFFFF  }
0x39: {  	_ =	task.clear_ibuf [dreg:s7], $0x2FFFF;
	_ =	strace $0x9FFFFFFF  }
0x3a: {  	(tm) =	ssettm $0x7FFFFFFF  }
0x3b: {  	_ =	shalt  }
tec
execute0_lowered:
.L_overlay_start_1:
0x0: {  	(tag) =	ssettag $0x1  }
0x1: {  	s0 =	srdreg.scid  }
0x2: {  	s1 =	sshll.u32 s0, $0x4  }
0x3: {  	s0 =	stileid.u32;
	s1 =	sand.u32 $0x10, s1  }
0x4: {  	s1 =	sor.u32 s0, s1  }
0x5: {  	s6 =	rddreg [dreg:$0x0];
	s4 =	simm.s32 $0x1;
	s2 =	sshll.u32 s1, $0x7  }
0x6: {  	s7 =	simm.s32 $0x2;
	s12 =	simm.s32 $0x0;
	s1 =	ssub.s32 $0x4000, s2  }
0x7: {  	s8 =	simm.s32 $0x20000;
	s13 =	simm.s32 $0x0;
	s3 =	sand.u32 $0xF80, s1  }
0x8: {  	s9 =	simm.s32 $0x0;
	s5 =	sshrl.u32 s1, $0xC;
	p0 =	sne.s32 s3, $0x0  }
.Ltmp0:
0x9: {  	s1 =	rddreg [dreg:$0x2];
	s4 =	simm.s32 @!p0 $0x0;
	(pc) =	sbr.rel .LBB1_1-.Ltmp0, $4  }
0xa: {  	s11 =	simm.s32 $0x0;
	s3 =	rddreg [dreg:$0x1];
	s5 =	sadd.s32 s4, s5  }
0xb: {  	_ =	strace $0x8000004A;
	s4 =	simm.s32 $0x1;
	s5 =	smul.u32 $0x32, s5  }
0xc: {  	s6 =	sadd.s32 $0x1200, s6;
	s10 =	smov.u32 s2;
	[sflag:s4] =	ssyncpa.u1 $0x0  }
0xd: {  	p0 =	por $0x0, $0x0;
	[sflag:s7] =	ssyncpa.u1 $0x0;
	s7 =	sor.u32 $0x1, s5  }
.LBB1_4:
0xe: {  	s16 =	sshll.u32 s13, $0x3;
	s17 =	sand.u32 $0x78, s13  }
0xf: {  	s30 =	sand.u32 $0xF800, s13;
	s12 =	sshll.u32 s12, $0x10;
	s16 =	sand.u32 $0x3C00, s16  }
0x10: {  	s31 =	sand.u32 $0x7, s13;
	s16 =	sor.u32 s17, s16;
	s17 =	sadd.s32 s3, s30  }
0x11: {  	s13 =	sshll.u32 s31, $0x12;
	s16 =	sshrl.u32 s16, $0x3;
	s12 =	sadd.s32 s12, s17  }
0x12: {  	[tilespmem:s15+$0x0 ss:$0x81] =	vst.msk $0xffff, v0;
	s13 =	sor.u32 $0x400, s13;
	s12 =	sadd.s32 s16, s12  }
0x13: {  	[hbm4b:s12+s13] =	stream.strided.scatter [tilespmem:s14], [sflag:$0x2], $0x1000, s8, s13, $0x20;
	[tilespmem:$0x4040] =	vst v63  }
.LBB1_5:
0x14: {  	s14 =	sadd.s32 $0x1, s9  }
0x15: {  	s12 =	sadd.s32 $0x1000, s10;
	s16 =	smov.u32 s10;
	p2 =	sgt.s32 s14, $0x31  }
0x16: {  	s16 =	smov.u32 @p2 s12  }
0x17: {  	s14 =	simm.s32 @p2 $0x0;
	p2 =	sgt.s32 s16, $0x3FFF  }
0x18: {  	s16 =	smov.u32 @p2 s2;
	p2 =	sne.s32 s11, s7  }
.Ltmp1:
0x19: {  	p1 =	slt.u32 s11, $0x2;
	(pc) =	sbr.rel @!p2 .LBB1_6-.Ltmp1, $4  }
0x1a: {  	s15 =	simm.s32 @!p1 $0x2  }
0x1b: {  	s13 =	smov.u32 s10;
	p0 =	por !p0, !p0;
	_ =	swait.ge @!p1 [sflag:s15], $0x1000  }
0x1c: {  	s12 =	smov.u32 s9;
	[sflag:s15] =	ssyncset.done @!p1 $0x0;
	s9 =	smov.u32 s14  }
0x1d: {  	s11 =	sadd.s32 $0x1, s11;
	[sflag:s15] =	ssyncadd.s32 @!p1 $0xFFFFF000;
	s10 =	smov.u32 s16  }
.LBB1_1:
0x1e: {  	p1 =	sge.u32 s11, s5  }
0x1f: {  	s14 =	sand.u32 @!p1 $0x1FFFFFF, s9  }
0x20: {  	s15 =	smulhi.u32 @!p1 $0x4924925, s14;
	_ =	sdelay $0x1  }
0x21: {  	s15 =	smul.u32 @!p1 $0x38, s15  }
0x22: {  	s16 =	sxor.u32 @!p1 $0xFFFFFFFF, s11;
	s17 =	smul.u32 @!p1 $0x380, s10  }
0x23: {  	s31 =	sadd.s32 $0xFFFFFFFF, s11;
	s16 =	sshll.u32 @!p1 s16, $0xC;
	s14 =	ssub.s32 @!p1 s14, s15  }
0x24: {  	s15 =	sand.u32 @!p1 $0x1000, s16;
	s16 =	sadd.s32 @!p1 s6, s17;
	s14 =	sshll.u32 @!p1 s14, $0x4  }
0x25: {  	s17 =	simm.s32 @!p1 $0x1C00;
	s14 =	sadd.s32 @!p1 s14, s16;
	s16 =	simm.s32 @!p1 $0x20  }
0x26: {  	[tilespmem:s15], [sflag:$0x1] =	stream.strided.gather @!p1 [hbm4b:s14+s16], $0x1000, s17, s16, $0x38;
	[tilespmem:$0x4040] =	vst v63  }
0x27: {  	p1 =	sge.u32 s31, s5  }
.Ltmp2:
0x28: {  	_ = 	snop;
	(pc) =	sbr.rel @p1 .LBB1_5-.Ltmp2, $1  }
0x29: {  	_ =	sdelay $0x3  }
0x2a: {  	s14 =	simm.s32 $0x1  }
0x2b: {  	_ =	swait.ge [sflag:s4], $0x1000;
	s14 =	simm.s32 @!p0 $0x0  }
0x2c: {  	[sflag:s4] =	ssyncset.done $0x0;
	s15 =	sshll.u32 s14, $0xC  }
0x2d: {  	[sflag:s4] =	ssyncadd.s32 $0xFFFFF000;
	s18 =	sor.u32 $0x10, s15  }
0x2e: {  	s14 =	smul.u32 $0x4080, s14;
	v1 =	vld [tilespmem:s18+$0x0]  }
0x2f: {  	s30 =	sand.u32 $0x1, s11;
	v0 =	vld [tilespmem:s18+$0xFFFFFFF0]  }
0x30: {  	s15 =	smul.u32 $0x4080, s30;
	s14 =	sshrl.u32 s14, $0x2  }
0x31: {  	s16 =	sor.u32 $0x2000, s14  }
0x32: {  	s31 =	sshrl.u32 s15, $0x2;
	s15 =	sadd.s32 $0x0, s16  }
0x33: {  	s17 =	simm.s32 $0x4;
	s18 =	sadd.s32 $0x20, s18;
	s14 =	sor.u32 $0x2000, s31;
	[tilespmem:s15+$0x810 ss:$0x81] =	vst.msk $0xffff, v1  }
.LBB1_3:
0x34: {  	v1 =	vld [tilespmem:s18+$0x0];
	p1 =	sne.s32 s17, $0x1FC;
	[tilespmem:s15+$0x0 ss:$0x81] =	vst.msk $0xffff, v0;
	s15 =	smov.u32 s17;
	s17 =	sadd.s32 $0x4, s17  }
.Ltmp3:
0x35: {  	v0 =	vld [tilespmem:s18+$0xFFFFFFF0];
	(pc) =	sbr.rel @p1 .LBB1_3-.Ltmp3, $4  }
0x36: {  	_ = 	snop  }
0x37: {  	s15 =	sshra.s32 s15, $0x2  }
0x38: {  	s15 =	sadd.s32 s15, s16  }
0x39: {  	s18 =	sadd.s32 $0x20, s18;
	[tilespmem:s15+$0x810 ss:$0x81] =	vst.msk $0xffff, v1  }
.Ltmp4:
0x3a: {  	_ = 	snop;
	(pc) =	sbr.rel .LBB1_4-.Ltmp4, $1  }
0x3b: {  	_ =	sdelay $0x3  }
.LBB1_6:
0x3c: {  	_ =	sfence.sel $0x180000  }
0x3d: {  	s2 =	simm.s32 $0x1;
	[bflag:$0x0] =	sbarrier.arrive $0xFFFF  }
0x3e: {  	s31 =	simm.s32 $0x2;
	[sflag:s2] =	ssyncpa.u1 $0x1  }
0x3f: {  	[sflag:s31] =	ssyncpa.u1 $0x1  }
0x40: {  	p0 =	sne.s32 s0, $0x0;
	_ =	strace $0x9000004A  }
0x41: {  	s0 =	sadd.s32 @!p0 $0x100000, s1;
	[bflag:$0x2] =	sbarrier.arrive $0xFFFF  }
0x42: {  	[sflag:s0] =	ssyncadd.tile.s32 @!p0 $0x1;
	_ =	shalt  }
.Lfunc_end1:
_tile_overlayer_lowered:
.L_overlay_start_2:
0x43: {  	(tag) =	ssettag $0x2  }
0x44: {  	s0 =	rddreg [dreg:$0x0];
	s2 =	stileid.u32  }
0x45: {  	s1 =	rddreg [dreg:$0x1];
	p0 =	sne.s32 s2, $0x0  }
0x46: {  	s3 =	rddreg [dreg:$0x2];
	[bflag:$0x3] =	sbarrier.arrive $0xFFFF;
	s2 =	simm.s32 @!p0 $0x1C01  }
0x47: {  	[timem:s3], [sflag:s2] =	dma.local @!p0 [hbm:s0], s1  }
0x48: {  	s0 =	simm.s32 @!p0 $0x1  }
0x49: {  	_ =	swait.ge @!p0 [sflag:s0], s1  }
0x4a: {  	s1 =	ssub.s32 @!p0 $0x0, s1;
	[sflag:s0] =	ssyncset.done @!p0 $0x0  }
0x4b: {  	[sflag:s0] =	ssyncadd.s32 @!p0 s1  }
0x4c: {  	[bflag:$0x3] =	sbarrier.arrive $0xFFFF  }
0x4d: {  	_ =	shalt  }

</sc_bundles>
